<compile_context>
chip_gen: v7x
topology: tpu7x:2x2x1
jax: 0.10.2.dev20260603
libtpu: 0.0.44.dev20260713+nightly
codegen_flags: <defaults>
</compile_context>

<pallas_src>
import functools

import jax
import jax.numpy as jnp
from jax import lax
from jax.experimental import pallas as pl
from jax.experimental.pallas import tpu as pltpu
from jax.experimental.pallas import tpu_sc as plsc

VOCAB = 100000
HIDDEN = 128
NUM_IDS = 4096 * 50

_INFO = plsc.get_sparse_core_info()
NC = _INFO.num_cores
NS = _INFO.num_subcores
NW = NC * NS
B_PER_W = NUM_IDS // NW
CHUNK = 128
N_CHUNKS = B_PER_W // CHUNK
NBUF = 5
R = N_CHUNKS // NBUF


def _sc_body(ids_hbm, table_hbm, out_hbm, idx_v, rows_v, gsem, ssem):
    wid = lax.axis_index("s") * NC + lax.axis_index("c")
    base = wid * B_PER_W
    pltpu.sync_copy(ids_hbm.at[pl.ds(base, B_PER_W)], idx_v)

    def fire_gather(j, b):
        idx = idx_v.at[pl.ds(j * CHUNK, CHUNK)]
        pltpu.async_copy(table_hbm.at[idx], rows_v.at[b], gsem.at[b])

    def wait_gather(b):
        pltpu.make_async_copy(
            table_hbm.at[pl.ds(0, CHUNK)], rows_v.at[b], gsem.at[b]
        ).wait()

    def fire_scatter(j, b):
        pltpu.async_copy(
            rows_v.at[b], out_hbm.at[pl.ds(base + j * CHUNK, CHUNK)], ssem.at[b]
        )

    def wait_scatter(b):
        pltpu.make_async_copy(
            rows_v.at[b], out_hbm.at[pl.ds(base, CHUNK)], ssem.at[b]
        ).wait()

    for b in range(NBUF):
        fire_gather(b, b)

    def body(i, carry):
        g = i * NBUF
        for b in range(NBUF):
            wait_gather(b)
            fire_scatter(g - NBUF + b, b)
        for b in range(NBUF):
            wait_scatter(b)
            fire_gather(g + b, b)
        return carry

    lax.fori_loop(1, R, body, 0)

    for b in range(NBUF):
        wait_gather(b)
        fire_scatter((R - 1) * NBUF + b, b)
    for b in range(NBUF):
        wait_scatter(b)


@jax.jit
def _emb(ids, table):
    mesh = plsc.VectorSubcoreMesh(core_axis_name="c", subcore_axis_name="s")
    k = functools.partial(
        pl.kernel,
        mesh=mesh,
        out_type=jax.ShapeDtypeStruct((NUM_IDS, HIDDEN), jnp.float32),
        scratch_types=[
            pltpu.VMEM((B_PER_W,), jnp.int32),
            pltpu.VMEM((NBUF, CHUNK, HIDDEN), jnp.float32),
            pltpu.SemaphoreType.DMA((NBUF,)),
            pltpu.SemaphoreType.DMA((NBUF,)),
        ],
    )(_sc_body)
    return k(ids, table)


def kernel(input_ids, table):
    batch, seq = input_ids.shape
    ids_t = input_ids.T.reshape(-1).astype(jnp.int32)
    out_t = _emb(ids_t, table)
    return out_t.reshape(seq, batch, HIDDEN).transpose(1, 0, 2)

# --- scband reference (transcript-rebuilt; emitter-appended) ---
"""Pipeline reference for scband-lmdbembedding-38525856645480 (READ-ONLY COPY).

The authoritative reference and input builder live on the scoring server;
editing this copy changes nothing except your own understanding.
"""

import jax, jax.numpy as jnp
import numpy as np

VOCAB = 100000
HIDDEN = 128
BATCH = 4096
SEQ = 50

def setup_inputs(seed: int = 0) -> dict:
    key = jax.random.key(seed)
    k1, k2 = jax.random.split(key)
    input_ids = jax.random.randint(k1, (BATCH, SEQ), 0, VOCAB, dtype=jnp.int64 if jax.config.jax_enable_x64 else jnp.int32)
    table = jax.random.normal(k2, (VOCAB, HIDDEN), dtype=jnp.float32)
    return {"input_ids": input_ids, "table": table}

def reference(input_ids, table):
    # Faithful translation of LMDBEmbedding.forward:
    # flatten ids, gather rows of shape [K, hidden_dim], reshape back to
    # [*input_ids.shape, hidden_dim]. Missing keys in LMDB yield zeros; here
    # all ids are in-range so every row is a plain gather.
    flat_ids = input_ids.reshape(-1)
    emb = jnp.take(table, flat_ids, axis=0)
    return emb.reshape(*input_ids.shape, table.shape[1])

if __name__ == "__main__":
    import jax
    _d = setup_inputs()
    print(jax.jit(kernel)(*tuple(_d.values())))

</pallas_src>

<mosaic_0001>
#map = affine_map<(d0, d1) -> (0)>
#map1 = affine_map<(d0, d1) -> (0, 0)>
module attributes {stable_mosaic.version = 14 : i64} {
  func.func @_sc_body(%arg0: i32, %arg1: i32, %arg2: memref<204800xi32, #tpu.memory_space<hbm>>, %arg3: memref<100000x128xf32, #tpu.memory_space<hbm>>, %arg4: memref<204800x128xf32, #tpu.memory_space<hbm>>, %arg5: memref<6400xi32, #tpu.memory_space<vmem>>, %arg6: memref<5x128x128xf32, #tpu.memory_space<vmem>>, %arg7: memref<5x!tpu.dma_semaphore, #tpu.memory_space<semaphore_mem>>, %arg8: memref<5x!tpu.dma_semaphore, #tpu.memory_space<semaphore_mem>>) attributes {dimension_semantics = [#tpu.dimension_semantics<core_parallel>, #tpu.dimension_semantics<subcore_parallel>], iteration_bounds = array<i64: 2, 16>, scalar_prefetch = 0 : i64, scratch_operands = 4 : i64, tpu.core_type = #tpu.core_type<sc_vector_subcore>, window_params = [{transform_indices = #map}, {transform_indices = #map1}, {transform_indices = #map1}]} {
    %mul3A = arith.constant 2 : i32
    %mul3A_0 = arith.muli %arg1, %mul3A : i32
    %add3A = arith.addi %mul3A_0, %arg0 : i32
    %mul3A_1 = arith.constant 6400 : i32
    %mul3A_2 = arith.muli %add3A, %mul3A_1 : i32
    "tpu.region"() ({
      %run_scoped3A = tpu.sem_alloc : memref<!tpu.dma_semaphore, #tpu.memory_space<semaphore_mem>>
      %dma_start3A_331 = tpu.memref_slice %arg2[%mul3A_2] : memref<204800xi32, #tpu.memory_space<hbm>> -> memref<6400xi32, #tpu.memory_space<hbm>>
      %dma_start3A_332 = tpu.memref_slice %arg2[%mul3A_2] : memref<204800xi32, #tpu.memory_space<hbm>> -> memref<6400xi32, #tpu.memory_space<hbm>>
      tpu.enqueue_dma source(%dma_start3A_332 : memref<6400xi32, #tpu.memory_space<hbm>>) target(%arg5 : memref<6400xi32, #tpu.memory_space<vmem>>) target_semaphore(%run_scoped3A : memref<!tpu.dma_semaphore, #tpu.memory_space<semaphore_mem>>)
      %dma_wait3A_333 = tpu.memref_slice %arg2[%mul3A_2] : memref<204800xi32, #tpu.memory_space<hbm>> -> memref<6400xi32, #tpu.memory_space<hbm>>
      %dma_wait3A_334 = tpu.memref_slice %arg2[%mul3A_2] : memref<204800xi32, #tpu.memory_space<hbm>> -> memref<6400xi32, #tpu.memory_space<hbm>>
      tpu.wait_dma2 semaphore(%run_scoped3A : memref<!tpu.dma_semaphore, #tpu.memory_space<semaphore_mem>>) src(%dma_wait3A_334 : memref<6400xi32, #tpu.memory_space<hbm>>) dst(%arg5 : memref<6400xi32, #tpu.memory_space<vmem>>)
      tpu.yield
    }) : () -> ()
    %dma_start3A = arith.constant 0 : i32
    %dma_start3A_3 = arith.constant 0 : i32
    %dma_start3A_4 = arith.constant 0 : i32
    %dma_start3A_5 = arith.constant 0 : i32
    %dma_start3A_6 = tpu.memref_slice %arg6[%dma_start3A, %dma_start3A_4, %dma_start3A_5] : memref<5x128x128xf32, #tpu.memory_space<vmem>> -> memref<1x128x128xf32, #tpu.memory_space<vmem>>
    %dma_start3A_7 = tpu.memref_squeeze %dma_start3A_6 : memref<1x128x128xf32, #tpu.memory_space<vmem>> -> memref<128x128xf32, #tpu.memory_space<vmem>>
    %dma_start3A_8 = arith.constant 0 : i32
    %dma_start3A_9 = tpu.memref_slice %arg5[%dma_start3A_8] : memref<6400xi32, #tpu.memory_space<vmem>> -> memref<128xi32, #tpu.memory_space<vmem>>
    %dma_start3A_10 = arith.constant 0 : i32
    %dma_start3A_11 = arith.constant 0 : i32
    %dma_start3A_12 = tpu.memref_slice %arg3[%dma_start3A_10, %dma_start3A_11] : memref<100000x128xf32, #tpu.memory_space<hbm>> -> memref<100000x128xf32, #tpu.memory_space<hbm>>
    %dma_start3A_13 = tpu.memref_slice %arg7[%dma_start3A_3] : memref<5x!tpu.dma_semaphore, #tpu.memory_space<semaphore_mem>> -> memref<1x!tpu.dma_semaphore, #tpu.memory_space<semaphore_mem>>
    %dma_start3A_14 = tpu.memref_squeeze %dma_start3A_13 : memref<1x!tpu.dma_semaphore, #tpu.memory_space<semaphore_mem>> -> memref<!tpu.dma_semaphore, #tpu.memory_space<semaphore_mem>>
    tpu.enqueue_indirect_dma source(%dma_start3A_12 : memref<100000x128xf32, #tpu.memory_space<hbm>>) target(%dma_start3A_7 : memref<128x128xf32, #tpu.memory_space<vmem>>) offsets(%dma_start3A_9 : memref<128xi32, #tpu.memory_space<vmem>>) semaphore(%dma_start3A_14 : memref<!tpu.dma_semaphore, #tpu.memory_space<semaphore_mem>>)
    %dma_start3A_15 = arith.constant 1 : i32
    %dma_start3A_16 = arith.constant 1 : i32
    %dma_start3A_17 = arith.constant 0 : i32
    %dma_start3A_18 = arith.constant 0 : i32
    %dma_start3A_19 = tpu.memref_slice %arg6[%dma_start3A_15, %dma_start3A_17, %dma_start3A_18] : memref<5x128x128xf32, #tpu.memory_space<vmem>> -> memref<1x128x128xf32, #tpu.memory_space<vmem>>
    %dma_start3A_20 = tpu.memref_squeeze %dma_start3A_19 : memref<1x128x128xf32, #tpu.memory_space<vmem>> -> memref<128x128xf32, #tpu.memory_space<vmem>>
    %dma_start3A_21 = arith.constant 128 : i32
    %dma_start3A_22 = tpu.memref_slice %arg5[%dma_start3A_21] : memref<6400xi32, #tpu.memory_space<vmem>> -> memref<128xi32, #tpu.memory_space<vmem>>
    %dma_start3A_23 = arith.constant 0 : i32
    %dma_start3A_24 = arith.constant 0 : i32
    %dma_start3A_25 = tpu.memref_slice %arg3[%dma_start3A_23, %dma_start3A_24] : memref<100000x128xf32, #tpu.memory_space<hbm>> -> memref<100000x128xf32, #tpu.memory_space<hbm>>
    %dma_start3A_26 = tpu.memref_slice %arg7[%dma_start3A_16] : memref<5x!tpu.dma_semaphore, #tpu.memory_space<semaphore_mem>> -> memref<1x!tpu.dma_semaphore, #tpu.memory_space<semaphore_mem>>
    %dma_start3A_27 = tpu.memref_squeeze %dma_start3A_26 : memref<1x!tpu.dma_semaphore, #tpu.memory_space<semaphore_mem>> -> memref<!tpu.dma_semaphore, #tpu.memory_space<semaphore_mem>>
    tpu.enqueue_indirect_dma source(%dma_start3A_25 : memref<100000x128xf32, #tpu.memory_space<hbm>>) target(%dma_start3A_20 : memref<128x128xf32, #tpu.memory_space<vmem>>) offsets(%dma_start3A_22 : memref<128xi32, #tpu.memory_space<vmem>>) semaphore(%dma_start3A_27 : memref<!tpu.dma_semaphore, #tpu.memory_space<semaphore_mem>>)
    %dma_start3A_28 = arith.constant 2 : i32
    %dma_start3A_29 = arith.constant 2 : i32
    %dma_start3A_30 = arith.constant 0 : i32
    %dma_start3A_31 = arith.constant 0 : i32
    %dma_start3A_32 = tpu.memref_slice %arg6[%dma_start3A_28, %dma_start3A_30, %dma_start3A_31] : memref<5x128x128xf32, #tpu.memory_space<vmem>> -> memref<1x128x128xf32, #tpu.memory_space<vmem>>
    %dma_start3A_33 = tpu.memref_squeeze %dma_start3A_32 : memref<1x128x128xf32, #tpu.memory_space<vmem>> -> memref<128x128xf32, #tpu.memory_space<vmem>>
    %dma_start3A_34 = arith.constant 256 : i32
    %dma_start3A_35 = tpu.memref_slice %arg5[%dma_start3A_34] : memref<6400xi32, #tpu.memory_space<vmem>> -> memref<128xi32, #tpu.memory_space<vmem>>
    %dma_start3A_36 = arith.constant 0 : i32
    %dma_start3A_37 = arith.constant 0 : i32
    %dma_start3A_38 = tpu.memref_slice %arg3[%dma_start3A_36, %dma_start3A_37] : memref<100000x128xf32, #tpu.memory_space<hbm>> -> memref<100000x128xf32, #tpu.memory_space<hbm>>
    %dma_start3A_39 = tpu.memref_slice %arg7[%dma_start3A_29] : memref<5x!tpu.dma_semaphore, #tpu.memory_space<semaphore_mem>> -> memref<1x!tpu.dma_semaphore, #tpu.memory_space<semaphore_mem>>
    %dma_start3A_40 = tpu.memref_squeeze %dma_start3A_39 : memref<1x!tpu.dma_semaphore, #tpu.memory_space<semaphore_mem>> -> memref<!tpu.dma_semaphore, #tpu.memory_space<semaphore_mem>>
    tpu.enqueue_indirect_dma source(%dma_start3A_38 : memref<100000x128xf32, #tpu.memory_space<hbm>>) target(%dma_start3A_33 : memref<128x128xf32, #tpu.memory_space<vmem>>) offsets(%dma_start3A_35 : memref<128xi32, #tpu.memory_space<vmem>>) semaphore(%dma_start3A_40 : memref<!tpu.dma_semaphore, #tpu.memory_space<semaphore_mem>>)
    %dma_start3A_41 = arith.constant 3 : i32
    %dma_start3A_42 = arith.constant 3 : i32
    %dma_start3A_43 = arith.constant 0 : i32
    %dma_start3A_44 = arith.constant 0 : i32
    %dma_start3A_45 = tpu.memref_slice %arg6[%dma_start3A_41, %dma_start3A_43, %dma_start3A_44] : memref<5x128x128xf32, #tpu.memory_space<vmem>> -> memref<1x128x128xf32, #tpu.memory_space<vmem>>
    %dma_start3A_46 = tpu.memref_squeeze %dma_start3A_45 : memref<1x128x128xf32, #tpu.memory_space<vmem>> -> memref<128x128xf32, #tpu.memory_space<vmem>>
    %dma_start3A_47 = arith.constant 384 : i32
    %dma_start3A_48 = tpu.memref_slice %arg5[%dma_start3A_47] : memref<6400xi32, #tpu.memory_space<vmem>> -> memref<128xi32, #tpu.memory_space<vmem>>
    %dma_start3A_49 = arith.constant 0 : i32
    %dma_start3A_50 = arith.constant 0 : i32
    %dma_start3A_51 = tpu.memref_slice %arg3[%dma_start3A_49, %dma_start3A_50] : memref<100000x128xf32, #tpu.memory_space<hbm>> -> memref<100000x128xf32, #tpu.memory_space<hbm>>
    %dma_start3A_52 = tpu.memref_slice %arg7[%dma_start3A_42] : memref<5x!tpu.dma_semaphore, #tpu.memory_space<semaphore_mem>> -> memref<1x!tpu.dma_semaphore, #tpu.memory_space<semaphore_mem>>
    %dma_start3A_53 = tpu.memref_squeeze %dma_start3A_52 : memref<1x!tpu.dma_semaphore, #tpu.memory_space<semaphore_mem>> -> memref<!tpu.dma_semaphore, #tpu.memory_space<semaphore_mem>>
    tpu.enqueue_indirect_dma source(%dma_start3A_51 : memref<100000x128xf32, #tpu.memory_space<hbm>>) target(%dma_start3A_46 : memref<128x128xf32, #tpu.memory_space<vmem>>) offsets(%dma_start3A_48 : memref<128xi32, #tpu.memory_space<vmem>>) semaphore(%dma_start3A_53 : memref<!tpu.dma_semaphore, #tpu.memory_space<semaphore_mem>>)
    %dma_start3A_54 = arith.constant 4 : i32
    %dma_start3A_55 = arith.constant 4 : i32
    %dma_start3A_56 = arith.constant 0 : i32
    %dma_start3A_57 = arith.constant 0 : i32
    %dma_start3A_58 = tpu.memref_slice %arg6[%dma_start3A_54, %dma_start3A_56, %dma_start3A_57] : memref<5x128x128xf32, #tpu.memory_space<vmem>> -> memref<1x128x128xf32, #tpu.memory_space<vmem>>
    %dma_start3A_59 = tpu.memref_squeeze %dma_start3A_58 : memref<1x128x128xf32, #tpu.memory_space<vmem>> -> memref<128x128xf32, #tpu.memory_space<vmem>>
    %dma_start3A_60 = arith.constant 512 : i32
    %dma_start3A_61 = tpu.memref_slice %arg5[%dma_start3A_60] : memref<6400xi32, #tpu.memory_space<vmem>> -> memref<128xi32, #tpu.memory_space<vmem>>
    %dma_start3A_62 = arith.constant 0 : i32
    %dma_start3A_63 = arith.constant 0 : i32
    %dma_start3A_64 = tpu.memref_slice %arg3[%dma_start3A_62, %dma_start3A_63] : memref<100000x128xf32, #tpu.memory_space<hbm>> -> memref<100000x128xf32, #tpu.memory_space<hbm>>
    %dma_start3A_65 = tpu.memref_slice %arg7[%dma_start3A_55] : memref<5x!tpu.dma_semaphore, #tpu.memory_space<semaphore_mem>> -> memref<1x!tpu.dma_semaphore, #tpu.memory_space<semaphore_mem>>
    %dma_start3A_66 = tpu.memref_squeeze %dma_start3A_65 : memref<1x!tpu.dma_semaphore, #tpu.memory_space<semaphore_mem>> -> memref<!tpu.dma_semaphore, #tpu.memory_space<semaphore_mem>>
    tpu.enqueue_indirect_dma source(%dma_start3A_64 : memref<100000x128xf32, #tpu.memory_space<hbm>>) target(%dma_start3A_59 : memref<128x128xf32, #tpu.memory_space<vmem>>) offsets(%dma_start3A_61 : memref<128xi32, #tpu.memory_space<vmem>>) semaphore(%dma_start3A_66 : memref<!tpu.dma_semaphore, #tpu.memory_space<semaphore_mem>>)
    %scan3A = arith.constant 0 : i32
    %scan3A_67 = arith.constant 1 : i32
    %scan3A_68 = arith.constant 9 : i32
    %scan3A_69 = arith.addi %scan3A_67, %scan3A_68 : i32
    %scan3A_70 = arith.constant 1 : i32
    scf.for %scan3A_331 = %scan3A_67 to %scan3A_69 step %scan3A_70  : i32 {
      %mul3A_332 = arith.constant 5 : i32
      %mul3A_333 = arith.muli %scan3A_331, %mul3A_332 : i32
      %dma_wait3A_334 = arith.constant 0 : i32
      %dma_wait3A_335 = arith.constant 0 : i32
      %dma_wait3A_336 = arith.constant 0 : i32
      %dma_wait3A_337 = arith.constant 0 : i32
      %dma_wait3A_338 = tpu.memref_slice %arg6[%dma_wait3A_334, %dma_wait3A_336, %dma_wait3A_337] : memref<5x128x128xf32, #tpu.memory_space<vmem>> -> memref<1x128x128xf32, #tpu.memory_space<vmem>>
      %dma_wait3A_339 = tpu.memref_squeeze %dma_wait3A_338 : memref<1x128x128xf32, #tpu.memory_space<vmem>> -> memref<128x128xf32, #tpu.memory_space<vmem>>
      %dma_wait3A_340 = arith.constant 0 : i32
      %dma_wait3A_341 = arith.constant 0 : i32
      %dma_wait3A_342 = tpu.memref_slice %arg3[%dma_wait3A_340, %dma_wait3A_341] : memref<100000x128xf32, #tpu.memory_space<hbm>> -> memref<128x128xf32, #tpu.memory_space<hbm>>
      %dma_wait3A_343 = tpu.memref_slice %arg7[%dma_wait3A_335] : memref<5x!tpu.dma_semaphore, #tpu.memory_space<semaphore_mem>> -> memref<1x!tpu.dma_semaphore, #tpu.memory_space<semaphore_mem>>
      %dma_wait3A_344 = tpu.memref_squeeze %dma_wait3A_343 : memref<1x!tpu.dma_semaphore, #tpu.memory_space<semaphore_mem>> -> memref<!tpu.dma_semaphore, #tpu.memory_space<semaphore_mem>>
      %dma_wait3A_345 = arith.constant 0 : i32
      %dma_wait3A_346 = arith.constant 0 : i32
      %dma_wait3A_347 = tpu.memref_slice %arg6[%dma_wait3A_334, %dma_wait3A_345, %dma_wait3A_346] : memref<5x128x128xf32, #tpu.memory_space<vmem>> -> memref<1x128x128xf32, #tpu.memory_space<vmem>>
      %dma_wait3A_348 = tpu.memref_squeeze %dma_wait3A_347 : memref<1x128x128xf32, #tpu.memory_space<vmem>> -> memref<128x128xf32, #tpu.memory_space<vmem>>
      %dma_wait3A_349 = arith.constant 0 : i32
      %dma_wait3A_350 = arith.constant 0 : i32
      %dma_wait3A_351 = tpu.memref_slice %arg3[%dma_wait3A_349, %dma_wait3A_350] : memref<100000x128xf32, #tpu.memory_space<hbm>> -> memref<128x128xf32, #tpu.memory_space<hbm>>
      tpu.wait_dma2 semaphore(%dma_wait3A_344 : memref<!tpu.dma_semaphore, #tpu.memory_space<semaphore_mem>>) src(%dma_wait3A_351 : memref<128x128xf32, #tpu.memory_space<hbm>>) dst(%dma_wait3A_348 : memref<128x128xf32, #tpu.memory_space<vmem>>)
      %sub3A = arith.constant 5 : i32
      %sub3A_352 = arith.subi %mul3A_333, %sub3A : i32
      %add3A_353 = arith.constant 0 : i32
      %add3A_354 = arith.addi %sub3A_352, %add3A_353 : i32
      %mul3A_355 = arith.constant 128 : i32
      %mul3A_356 = arith.muli %add3A_354, %mul3A_355 : i32
      %add3A_357 = arith.addi %mul3A_2, %mul3A_356 : i32
      %dma_start3A_358 = arith.constant 0 : i32
      %dma_start3A_359 = arith.constant 0 : i32
      %dma_start3A_360 = arith.constant 0 : i32
      %dma_start3A_361 = arith.constant 0 : i32
      %dma_start3A_362 = tpu.memref_slice %arg6[%dma_start3A_358, %dma_start3A_360, %dma_start3A_361] : memref<5x128x128xf32, #tpu.memory_space<vmem>> -> memref<1x128x128xf32, #tpu.memory_space<vmem>>
      %dma_start3A_363 = tpu.memref_squeeze %dma_start3A_362 : memref<1x128x128xf32, #tpu.memory_space<vmem>> -> memref<128x128xf32, #tpu.memory_space<vmem>>
      %dma_start3A_364 = arith.constant 0 : i32
      %dma_start3A_365 = tpu.memref_slice %arg4[%add3A_357, %dma_start3A_364] : memref<204800x128xf32, #tpu.memory_space<hbm>> -> memref<128x128xf32, #tpu.memory_space<hbm>>
      %dma_start3A_366 = tpu.memref_slice %arg8[%dma_start3A_359] : memref<5x!tpu.dma_semaphore, #tpu.memory_space<semaphore_mem>> -> memref<1x!tpu.dma_semaphore, #tpu.memory_space<semaphore_mem>>
      %dma_start3A_367 = tpu.memref_squeeze %dma_start3A_366 : memref<1x!tpu.dma_semaphore, #tpu.memory_space<semaphore_mem>> -> memref<!tpu.dma_semaphore, #tpu.memory_space<semaphore_mem>>
      %dma_start3A_368 = arith.constant 0 : i32
      %dma_start3A_369 = tpu.memref_slice %arg4[%add3A_357, %dma_start3A_368] : memref<204800x128xf32, #tpu.memory_space<hbm>> -> memref<128x128xf32, #tpu.memory_space<hbm>>
      %dma_start3A_370 = arith.constant 0 : i32
      %dma_start3A_371 = arith.constant 0 : i32
      %dma_start3A_372 = tpu.memref_slice %arg6[%dma_start3A_358, %dma_start3A_370, %dma_start3A_371] : memref<5x128x128xf32, #tpu.memory_space<vmem>> -> memref<1x128x128xf32, #tpu.memory_space<vmem>>
      %dma_start3A_373 = tpu.memref_squeeze %dma_start3A_372 : memref<1x128x128xf32, #tpu.memory_space<vmem>> -> memref<128x128xf32, #tpu.memory_space<vmem>>
      tpu.enqueue_dma source(%dma_start3A_373 : memref<128x128xf32, #tpu.memory_space<vmem>>) target(%dma_start3A_369 : memref<128x128xf32, #tpu.memory_space<hbm>>) target_semaphore(%dma_start3A_367 : memref<!tpu.dma_semaphore, #tpu.memory_space<semaphore_mem>>)
      %dma_wait3A_374 = arith.constant 1 : i32
      %dma_wait3A_375 = arith.constant 1 : i32
      %dma_wait3A_376 = arith.constant 0 : i32
      %dma_wait3A_377 = arith.constant 0 : i32
      %dma_wait3A_378 = tpu.memref_slice %arg6[%dma_wait3A_374, %dma_wait3A_376, %dma_wait3A_377] : memref<5x128x128xf32, #tpu.memory_space<vmem>> -> memref<1x128x128xf32, #tpu.memory_space<vmem>>
      %dma_wait3A_379 = tpu.memref_squeeze %dma_wait3A_378 : memref<1x128x128xf32, #tpu.memory_space<vmem>> -> memref<128x128xf32, #tpu.memory_space<vmem>>
      %dma_wait3A_380 = arith.constant 0 : i32
      %dma_wait3A_381 = arith.constant 0 : i32
      %dma_wait3A_382 = tpu.memref_slice %arg3[%dma_wait3A_380, %dma_wait3A_381] : memref<100000x128xf32, #tpu.memory_space<hbm>> -> memref<128x128xf32, #tpu.memory_space<hbm>>
      %dma_wait3A_383 = tpu.memref_slice %arg7[%dma_wait3A_375] : memref<5x!tpu.dma_semaphore, #tpu.memory_space<semaphore_mem>> -> memref<1x!tpu.dma_semaphore, #tpu.memory_space<semaphore_mem>>
      %dma_wait3A_384 = tpu.memref_squeeze %dma_wait3A_383 : memref<1x!tpu.dma_semaphore, #tpu.memory_space<semaphore_mem>> -> memref<!tpu.dma_semaphore, #tpu.memory_space<semaphore_mem>>
      %dma_wait3A_385 = arith.constant 0 : i32
      %dma_wait3A_386 = arith.constant 0 : i32
      %dma_wait3A_387 = tpu.memref_slice %arg6[%dma_wait3A_374, %dma_wait3A_385, %dma_wait3A_386] : memref<5x128x128xf32, #tpu.memory_space<vmem>> -> memref<1x128x128xf32, #tpu.memory_space<vmem>>
      %dma_wait3A_388 = tpu.memref_squeeze %dma_wait3A_387 : memref<1x128x128xf32, #tpu.memory_space<vmem>> -> memref<128x128xf32, #tpu.memory_space<vmem>>
      %dma_wait3A_389 = arith.constant 0 : i32
      %dma_wait3A_390 = arith.constant 0 : i32
      %dma_wait3A_391 = tpu.memref_slice %arg3[%dma_wait3A_389, %dma_wait3A_390] : memref<100000x128xf32, #tpu.memory_space<hbm>> -> memref<128x128xf32, #tpu.memory_space<hbm>>
      tpu.wait_dma2 semaphore(%dma_wait3A_384 : memref<!tpu.dma_semaphore, #tpu.memory_space<semaphore_mem>>) src(%dma_wait3A_391 : memref<128x128xf32, #tpu.memory_space<hbm>>) dst(%dma_wait3A_388 : memref<128x128xf32, #tpu.memory_space<vmem>>)
      %sub3A_392 = arith.constant 5 : i32
      %sub3A_393 = arith.subi %mul3A_333, %sub3A_392 : i32
      %add3A_394 = arith.constant 1 : i32
      %add3A_395 = arith.addi %sub3A_393, %add3A_394 : i32
      %mul3A_396 = arith.constant 128 : i32
      %mul3A_397 = arith.muli %add3A_395, %mul3A_396 : i32
      %add3A_398 = arith.addi %mul3A_2, %mul3A_397 : i32
      %dma_start3A_399 = arith.constant 1 : i32
      %dma_start3A_400 = arith.constant 1 : i32
      %dma_start3A_401 = arith.constant 0 : i32
      %dma_start3A_402 = arith.constant 0 : i32
      %dma_start3A_403 = tpu.memref_slice %arg6[%dma_start3A_399, %dma_start3A_401, %dma_start3A_402] : memref<5x128x128xf32, #tpu.memory_space<vmem>> -> memref<1x128x128xf32, #tpu.memory_space<vmem>>
      %dma_start3A_404 = tpu.memref_squeeze %dma_start3A_403 : memref<1x128x128xf32, #tpu.memory_space<vmem>> -> memref<128x128xf32, #tpu.memory_space<vmem>>
      %dma_start3A_405 = arith.constant 0 : i32
      %dma_start3A_406 = tpu.memref_slice %arg4[%add3A_398, %dma_start3A_405] : memref<204800x128xf32, #tpu.memory_space<hbm>> -> memref<128x128xf32, #tpu.memory_space<hbm>>
      %dma_start3A_407 = tpu.memref_slice %arg8[%dma_start3A_400] : memref<5x!tpu.dma_semaphore, #tpu.memory_space<semaphore_mem>> -> memref<1x!tpu.dma_semaphore, #tpu.memory_space<semaphore_mem>>
      %dma_start3A_408 = tpu.memref_squeeze %dma_start3A_407 : memref<1x!tpu.dma_semaphore, #tpu.memory_space<semaphore_mem>> -> memref<!tpu.dma_semaphore, #tpu.memory_space<semaphore_mem>>
      %dma_start3A_409 = arith.constant 0 : i32
      %dma_start3A_410 = tpu.memref_slice %arg4[%add3A_398, %dma_start3A_409] : memref<204800x128xf32, #tpu.memory_space<hbm>> -> memref<128x128xf32, #tpu.memory_space<hbm>>
      %dma_start3A_411 = arith.constant 0 : i32
      %dma_start3A_412 = arith.constant 0 : i32
      %dma_start3A_413 = tpu.memref_slice %arg6[%dma_start3A_399, %dma_start3A_411, %dma_start3A_412] : memref<5x128x128xf32, #tpu.memory_space<vmem>> -> memref<1x128x128xf32, #tpu.memory_space<vmem>>
      %dma_start3A_414 = tpu.memref_squeeze %dma_start3A_413 : memref<1x128x128xf32, #tpu.memory_space<vmem>> -> memref<128x128xf32, #tpu.memory_space<vmem>>
      tpu.enqueue_dma source(%dma_start3A_414 : memref<128x128xf32, #tpu.memory_space<vmem>>) target(%dma_start3A_410 : memref<128x128xf32, #tpu.memory_space<hbm>>) target_semaphore(%dma_start3A_408 : memref<!tpu.dma_semaphore, #tpu.memory_space<semaphore_mem>>)
      %dma_wait3A_415 = arith.constant 2 : i32
      %dma_wait3A_416 = arith.constant 2 : i32
      %dma_wait3A_417 = arith.constant 0 : i32
      %dma_wait3A_418 = arith.constant 0 : i32
      %dma_wait3A_419 = tpu.memref_slice %arg6[%dma_wait3A_415, %dma_wait3A_417, %dma_wait3A_418] : memref<5x128x128xf32, #tpu.memory_space<vmem>> -> memref<1x128x128xf32, #tpu.memory_space<vmem>>
      %dma_wait3A_420 = tpu.memref_squeeze %dma_wait3A_419 : memref<1x128x128xf32, #tpu.memory_space<vmem>> -> memref<128x128xf32, #tpu.memory_space<vmem>>
      %dma_wait3A_421 = arith.constant 0 : i32
      %dma_wait3A_422 = arith.constant 0 : i32
      %dma_wait3A_423 = tpu.memref_slice %arg3[%dma_wait3A_421, %dma_wait3A_422] : memref<100000x128xf32, #tpu.memory_space<hbm>> -> memref<128x128xf32, #tpu.memory_space<hbm>>
      %dma_wait3A_424 = tpu.memref_slice %arg7[%dma_wait3A_416] : memref<5x!tpu.dma_semaphore, #tpu.memory_space<semaphore_mem>> -> memref<1x!tpu.dma_semaphore, #tpu.memory_space<semaphore_mem>>
      %dma_wait3A_425 = tpu.memref_squeeze %dma_wait3A_424 : memref<1x!tpu.dma_semaphore, #tpu.memory_space<semaphore_mem>> -> memref<!tpu.dma_semaphore, #tpu.memory_space<semaphore_mem>>
      %dma_wait3A_426 = arith.constant 0 : i32
      %dma_wait3A_427 = arith.constant 0 : i32
      %dma_wait3A_428 = tpu.memref_slice %arg6[%dma_wait3A_415, %dma_wait3A_426, %dma_wait3A_427] : memref<5x128x128xf32, #tpu.memory_space<vmem>> -> memref<1x128x128xf32, #tpu.memory_space<vmem>>
      %dma_wait3A_429 = tpu.memref_squeeze %dma_wait3A_428 : memref<1x128x128xf32, #tpu.memory_space<vmem>> -> memref<128x128xf32, #tpu.memory_space<vmem>>
      %dma_wait3A_430 = arith.constant 0 : i32
      %dma_wait3A_431 = arith.constant 0 : i32
      %dma_wait3A_432 = tpu.memref_slice %arg3[%dma_wait3A_430, %dma_wait3A_431] : memref<100000x128xf32, #tpu.memory_space<hbm>> -> memref<128x128xf32, #tpu.memory_space<hbm>>
      tpu.wait_dma2 semaphore(%dma_wait3A_425 : memref<!tpu.dma_semaphore, #tpu.memory_space<semaphore_mem>>) src(%dma_wait3A_432 : memref<128x128xf32, #tpu.memory_space<hbm>>) dst(%dma_wait3A_429 : memref<128x128xf32, #tpu.memory_space<vmem>>)
      %sub3A_433 = arith.constant 5 : i32
      %sub3A_434 = arith.subi %mul3A_333, %sub3A_433 : i32
      %add3A_435 = arith.constant 2 : i32
      %add3A_436 = arith.addi %sub3A_434, %add3A_435 : i32
      %mul3A_437 = arith.constant 128 : i32
      %mul3A_438 = arith.muli %add3A_436, %mul3A_437 : i32
      %add3A_439 = arith.addi %mul3A_2, %mul3A_438 : i32
      %dma_start3A_440 = arith.constant 2 : i32
      %dma_start3A_441 = arith.constant 2 : i32
      %dma_start3A_442 = arith.constant 0 : i32
      %dma_start3A_443 = arith.constant 0 : i32
      %dma_start3A_444 = tpu.memref_slice %arg6[%dma_start3A_440, %dma_start3A_442, %dma_start3A_443] : memref<5x128x128xf32, #tpu.memory_space<vmem>> -> memref<1x128x128xf32, #tpu.memory_space<vmem>>
      %dma_start3A_445 = tpu.memref_squeeze %dma_start3A_444 : memref<1x128x128xf32, #tpu.memory_space<vmem>> -> memref<128x128xf32, #tpu.memory_space<vmem>>
      %dma_start3A_446 = arith.constant 0 : i32
      %dma_start3A_447 = tpu.memref_slice %arg4[%add3A_439, %dma_start3A_446] : memref<204800x128xf32, #tpu.memory_space<hbm>> -> memref<128x128xf32, #tpu.memory_space<hbm>>
      %dma_start3A_448 = tpu.memref_slice %arg8[%dma_start3A_441] : memref<5x!tpu.dma_semaphore, #tpu.memory_space<semaphore_mem>> -> memref<1x!tpu.dma_semaphore, #tpu.memory_space<semaphore_mem>>
      %dma_start3A_449 = tpu.memref_squeeze %dma_start3A_448 : memref<1x!tpu.dma_semaphore, #tpu.memory_space<semaphore_mem>> -> memref<!tpu.dma_semaphore, #tpu.memory_space<semaphore_mem>>
      %dma_start3A_450 = arith.constant 0 : i32
      %dma_start3A_451 = tpu.memref_slice %arg4[%add3A_439, %dma_start3A_450] : memref<204800x128xf32, #tpu.memory_space<hbm>> -> memref<128x128xf32, #tpu.memory_space<hbm>>
      %dma_start3A_452 = arith.constant 0 : i32
      %dma_start3A_453 = arith.constant 0 : i32
      %dma_start3A_454 = tpu.memref_slice %arg6[%dma_start3A_440, %dma_start3A_452, %dma_start3A_453] : memref<5x128x128xf32, #tpu.memory_space<vmem>> -> memref<1x128x128xf32, #tpu.memory_space<vmem>>
      %dma_start3A_455 = tpu.memref_squeeze %dma_start3A_454 : memref<1x128x128xf32, #tpu.memory_space<vmem>> -> memref<128x128xf32, #tpu.memory_space<vmem>>
      tpu.enqueue_dma source(%dma_start3A_455 : memref<128x128xf32, #tpu.memory_space<vmem>>) target(%dma_start3A_451 : memref<128x128xf32, #tpu.memory_space<hbm>>) target_semaphore(%dma_start3A_449 : memref<!tpu.dma_semaphore, #tpu.memory_space<semaphore_mem>>)
      %dma_wait3A_456 = arith.constant 3 : i32
      %dma_wait3A_457 = arith.constant 3 : i32
      %dma_wait3A_458 = arith.constant 0 : i32
      %dma_wait3A_459 = arith.constant 0 : i32
      %dma_wait3A_460 = tpu.memref_slice %arg6[%dma_wait3A_456, %dma_wait3A_458, %dma_wait3A_459] : memref<5x128x128xf32, #tpu.memory_space<vmem>> -> memref<1x128x128xf32, #tpu.memory_space<vmem>>
      %dma_wait3A_461 = tpu.memref_squeeze %dma_wait3A_460 : memref<1x128x128xf32, #tpu.memory_space<vmem>> -> memref<128x128xf32, #tpu.memory_space<vmem>>
      %dma_wait3A_462 = arith.constant 0 : i32
      %dma_wait3A_463 = arith.constant 0 : i32
      %dma_wait3A_464 = tpu.memref_slice %arg3[%dma_wait3A_462, %dma_wait3A_463] : memref<100000x128xf32, #tpu.memory_space<hbm>> -> memref<128x128xf32, #tpu.memory_space<hbm>>
      %dma_wait3A_465 = tpu.memref_slice %arg7[%dma_wait3A_457] : memref<5x!tpu.dma_semaphore, #tpu.memory_space<semaphore_mem>> -> memref<1x!tpu.dma_semaphore, #tpu.memory_space<semaphore_mem>>
      %dma_wait3A_466 = tpu.memref_squeeze %dma_wait3A_465 : memref<1x!tpu.dma_semaphore, #tpu.memory_space<semaphore_mem>> -> memref<!tpu.dma_semaphore, #tpu.memory_space<semaphore_mem>>
      %dma_wait3A_467 = arith.constant 0 : i32
      %dma_wait3A_468 = arith.constant 0 : i32
      %dma_wait3A_469 = tpu.memref_slice %arg6[%dma_wait3A_456, %dma_wait3A_467, %dma_wait3A_468] : memref<5x128x128xf32, #tpu.memory_space<vmem>> -> memref<1x128x128xf32, #tpu.memory_space<vmem>>
      %dma_wait3A_470 = tpu.memref_squeeze %dma_wait3A_469 : memref<1x128x128xf32, #tpu.memory_space<vmem>> -> memref<128x128xf32, #tpu.memory_space<vmem>>
      %dma_wait3A_471 = arith.constant 0 : i32
      %dma_wait3A_472 = arith.constant 0 : i32
      %dma_wait3A_473 = tpu.memref_slice %arg3[%dma_wait3A_471, %dma_wait3A_472] : memref<100000x128xf32, #tpu.memory_space<hbm>> -> memref<128x128xf32, #tpu.memory_space<hbm>>
      tpu.wait_dma2 semaphore(%dma_wait3A_466 : memref<!tpu.dma_semaphore, #tpu.memory_space<semaphore_mem>>) src(%dma_wait3A_473 : memref<128x128xf32, #tpu.memory_space<hbm>>) dst(%dma_wait3A_470 : memref<128x128xf32, #tpu.memory_space<vmem>>)
      %sub3A_474 = arith.constant 5 : i32
      %sub3A_475 = arith.subi %mul3A_333, %sub3A_474 : i32
      %add3A_476 = arith.constant 3 : i32
      %add3A_477 = arith.addi %sub3A_475, %add3A_476 : i32
      %mul3A_478 = arith.constant 128 : i32
      %mul3A_479 = arith.muli %add3A_477, %mul3A_478 : i32
      %add3A_480 = arith.addi %mul3A_2, %mul3A_479 : i32
      %dma_start3A_481 = arith.constant 3 : i32
      %dma_start3A_482 = arith.constant 3 : i32
      %dma_start3A_483 = arith.constant 0 : i32
      %dma_start3A_484 = arith.constant 0 : i32
      %dma_start3A_485 = tpu.memref_slice %arg6[%dma_start3A_481, %dma_start3A_483, %dma_start3A_484] : memref<5x128x128xf32, #tpu.memory_space<vmem>> -> memref<1x128x128xf32, #tpu.memory_space<vmem>>
      %dma_start3A_486 = tpu.memref_squeeze %dma_start3A_485 : memref<1x128x128xf32, #tpu.memory_space<vmem>> -> memref<128x128xf32, #tpu.memory_space<vmem>>
      %dma_start3A_487 = arith.constant 0 : i32
      %dma_start3A_488 = tpu.memref_slice %arg4[%add3A_480, %dma_start3A_487] : memref<204800x128xf32, #tpu.memory_space<hbm>> -> memref<128x128xf32, #tpu.memory_space<hbm>>
      %dma_start3A_489 = tpu.memref_slice %arg8[%dma_start3A_482] : memref<5x!tpu.dma_semaphore, #tpu.memory_space<semaphore_mem>> -> memref<1x!tpu.dma_semaphore, #tpu.memory_space<semaphore_mem>>
      %dma_start3A_490 = tpu.memref_squeeze %dma_start3A_489 : memref<1x!tpu.dma_semaphore, #tpu.memory_space<semaphore_mem>> -> memref<!tpu.dma_semaphore, #tpu.memory_space<semaphore_mem>>
      %dma_start3A_491 = arith.constant 0 : i32
      %dma_start3A_492 = tpu.memref_slice %arg4[%add3A_480, %dma_start3A_491] : memref<204800x128xf32, #tpu.memory_space<hbm>> -> memref<128x128xf32, #tpu.memory_space<hbm>>
      %dma_start3A_493 = arith.constant 0 : i32
      %dma_start3A_494 = arith.constant 0 : i32
      %dma_start3A_495 = tpu.memref_slice %arg6[%dma_start3A_481, %dma_start3A_493, %dma_start3A_494] : memref<5x128x128xf32, #tpu.memory_space<vmem>> -> memref<1x128x128xf32, #tpu.memory_space<vmem>>
      %dma_start3A_496 = tpu.memref_squeeze %dma_start3A_495 : memref<1x128x128xf32, #tpu.memory_space<vmem>> -> memref<128x128xf32, #tpu.memory_space<vmem>>
      tpu.enqueue_dma source(%dma_start3A_496 : memref<128x128xf32, #tpu.memory_space<vmem>>) target(%dma_start3A_492 : memref<128x128xf32, #tpu.memory_space<hbm>>) target_semaphore(%dma_start3A_490 : memref<!tpu.dma_semaphore, #tpu.memory_space<semaphore_mem>>)
      %dma_wait3A_497 = arith.constant 4 : i32
      %dma_wait3A_498 = arith.constant 4 : i32
      %dma_wait3A_499 = arith.constant 0 : i32
      %dma_wait3A_500 = arith.constant 0 : i32
      %dma_wait3A_501 = tpu.memref_slice %arg6[%dma_wait3A_497, %dma_wait3A_499, %dma_wait3A_500] : memref<5x128x128xf32, #tpu.memory_space<vmem>> -> memref<1x128x128xf32, #tpu.memory_space<vmem>>
      %dma_wait3A_502 = tpu.memref_squeeze %dma_wait3A_501 : memref<1x128x128xf32, #tpu.memory_space<vmem>> -> memref<128x128xf32, #tpu.memory_space<vmem>>
      %dma_wait3A_503 = arith.constant 0 : i32
      %dma_wait3A_504 = arith.constant 0 : i32
      %dma_wait3A_505 = tpu.memref_slice %arg3[%dma_wait3A_503, %dma_wait3A_504] : memref<100000x128xf32, #tpu.memory_space<hbm>> -> memref<128x128xf32, #tpu.memory_space<hbm>>
      %dma_wait3A_506 = tpu.memref_slice %arg7[%dma_wait3A_498] : memref<5x!tpu.dma_semaphore, #tpu.memory_space<semaphore_mem>> -> memref<1x!tpu.dma_semaphore, #tpu.memory_space<semaphore_mem>>
      %dma_wait3A_507 = tpu.memref_squeeze %dma_wait3A_506 : memref<1x!tpu.dma_semaphore, #tpu.memory_space<semaphore_mem>> -> memref<!tpu.dma_semaphore, #tpu.memory_space<semaphore_mem>>
      %dma_wait3A_508 = arith.constant 0 : i32
      %dma_wait3A_509 = arith.constant 0 : i32
      %dma_wait3A_510 = tpu.memref_slice %arg6[%dma_wait3A_497, %dma_wait3A_508, %dma_wait3A_509] : memref<5x128x128xf32, #tpu.memory_space<vmem>> -> memref<1x128x128xf32, #tpu.memory_space<vmem>>
      %dma_wait3A_511 = tpu.memref_squeeze %dma_wait3A_510 : memref<1x128x128xf32, #tpu.memory_space<vmem>> -> memref<128x128xf32, #tpu.memory_space<vmem>>
      %dma_wait3A_512 = arith.constant 0 : i32
      %dma_wait3A_513 = arith.constant 0 : i32
      %dma_wait3A_514 = tpu.memref_slice %arg3[%dma_wait3A_512, %dma_wait3A_513] : memref<100000x128xf32, #tpu.memory_space<hbm>> -> memref<128x128xf32, #tpu.memory_space<hbm>>
      tpu.wait_dma2 semaphore(%dma_wait3A_507 : memref<!tpu.dma_semaphore, #tpu.memory_space<semaphore_mem>>) src(%dma_wait3A_514 : memref<128x128xf32, #tpu.memory_space<hbm>>) dst(%dma_wait3A_511 : memref<128x128xf32, #tpu.memory_space<vmem>>)
      %sub3A_515 = arith.constant 5 : i32
      %sub3A_516 = arith.subi %mul3A_333, %sub3A_515 : i32
      %add3A_517 = arith.constant 4 : i32
      %add3A_518 = arith.addi %sub3A_516, %add3A_517 : i32
      %mul3A_519 = arith.constant 128 : i32
      %mul3A_520 = arith.muli %add3A_518, %mul3A_519 : i32
      %add3A_521 = arith.addi %mul3A_2, %mul3A_520 : i32
      %dma_start3A_522 = arith.constant 4 : i32
      %dma_start3A_523 = arith.constant 4 : i32
      %dma_start3A_524 = arith.constant 0 : i32
      %dma_start3A_525 = arith.constant 0 : i32
      %dma_start3A_526 = tpu.memref_slice %arg6[%dma_start3A_522, %dma_start3A_524, %dma_start3A_525] : memref<5x128x128xf32, #tpu.memory_space<vmem>> -> memref<1x128x128xf32, #tpu.memory_space<vmem>>
      %dma_start3A_527 = tpu.memref_squeeze %dma_start3A_526 : memref<1x128x128xf32, #tpu.memory_space<vmem>> -> memref<128x128xf32, #tpu.memory_space<vmem>>
      %dma_start3A_528 = arith.constant 0 : i32
      %dma_start3A_529 = tpu.memref_slice %arg4[%add3A_521, %dma_start3A_528] : memref<204800x128xf32, #tpu.memory_space<hbm>> -> memref<128x128xf32, #tpu.memory_space<hbm>>
      %dma_start3A_530 = tpu.memref_slice %arg8[%dma_start3A_523] : memref<5x!tpu.dma_semaphore, #tpu.memory_space<semaphore_mem>> -> memref<1x!tpu.dma_semaphore, #tpu.memory_space<semaphore_mem>>
      %dma_start3A_531 = tpu.memref_squeeze %dma_start3A_530 : memref<1x!tpu.dma_semaphore, #tpu.memory_space<semaphore_mem>> -> memref<!tpu.dma_semaphore, #tpu.memory_space<semaphore_mem>>
      %dma_start3A_532 = arith.constant 0 : i32
      %dma_start3A_533 = tpu.memref_slice %arg4[%add3A_521, %dma_start3A_532] : memref<204800x128xf32, #tpu.memory_space<hbm>> -> memref<128x128xf32, #tpu.memory_space<hbm>>
      %dma_start3A_534 = arith.constant 0 : i32
      %dma_start3A_535 = arith.constant 0 : i32
      %dma_start3A_536 = tpu.memref_slice %arg6[%dma_start3A_522, %dma_start3A_534, %dma_start3A_535] : memref<5x128x128xf32, #tpu.memory_space<vmem>> -> memref<1x128x128xf32, #tpu.memory_space<vmem>>
      %dma_start3A_537 = tpu.memref_squeeze %dma_start3A_536 : memref<1x128x128xf32, #tpu.memory_space<vmem>> -> memref<128x128xf32, #tpu.memory_space<vmem>>
      tpu.enqueue_dma source(%dma_start3A_537 : memref<128x128xf32, #tpu.memory_space<vmem>>) target(%dma_start3A_533 : memref<128x128xf32, #tpu.memory_space<hbm>>) target_semaphore(%dma_start3A_531 : memref<!tpu.dma_semaphore, #tpu.memory_space<semaphore_mem>>)
      %dma_wait3A_538 = arith.constant 0 : i32
      %dma_wait3A_539 = arith.constant 0 : i32
      %dma_wait3A_540 = arith.constant 0 : i32
      %dma_wait3A_541 = arith.constant 0 : i32
      %dma_wait3A_542 = tpu.memref_slice %arg6[%dma_wait3A_538, %dma_wait3A_540, %dma_wait3A_541] : memref<5x128x128xf32, #tpu.memory_space<vmem>> -> memref<1x128x128xf32, #tpu.memory_space<vmem>>
      %dma_wait3A_543 = tpu.memref_squeeze %dma_wait3A_542 : memref<1x128x128xf32, #tpu.memory_space<vmem>> -> memref<128x128xf32, #tpu.memory_space<vmem>>
      %dma_wait3A_544 = arith.constant 0 : i32
      %dma_wait3A_545 = tpu.memref_slice %arg4[%mul3A_2, %dma_wait3A_544] : memref<204800x128xf32, #tpu.memory_space<hbm>> -> memref<128x128xf32, #tpu.memory_space<hbm>>
      %dma_wait3A_546 = tpu.memref_slice %arg8[%dma_wait3A_539] : memref<5x!tpu.dma_semaphore, #tpu.memory_space<semaphore_mem>> -> memref<1x!tpu.dma_semaphore, #tpu.memory_space<semaphore_mem>>
      %dma_wait3A_547 = tpu.memref_squeeze %dma_wait3A_546 : memref<1x!tpu.dma_semaphore, #tpu.memory_space<semaphore_mem>> -> memref<!tpu.dma_semaphore, #tpu.memory_space<semaphore_mem>>
      %dma_wait3A_548 = arith.constant 0 : i32
      %dma_wait3A_549 = tpu.memref_slice %arg4[%mul3A_2, %dma_wait3A_548] : memref<204800x128xf32, #tpu.memory_space<hbm>> -> memref<128x128xf32, #tpu.memory_space<hbm>>
      %dma_wait3A_550 = arith.constant 0 : i32
      %dma_wait3A_551 = arith.constant 0 : i32
      %dma_wait3A_552 = tpu.memref_slice %arg6[%dma_wait3A_538, %dma_wait3A_550, %dma_wait3A_551] : memref<5x128x128xf32, #tpu.memory_space<vmem>> -> memref<1x128x128xf32, #tpu.memory_space<vmem>>
      %dma_wait3A_553 = tpu.memref_squeeze %dma_wait3A_552 : memref<1x128x128xf32, #tpu.memory_space<vmem>> -> memref<128x128xf32, #tpu.memory_space<vmem>>
      tpu.wait_dma2 semaphore(%dma_wait3A_547 : memref<!tpu.dma_semaphore, #tpu.memory_space<semaphore_mem>>) src(%dma_wait3A_553 : memref<128x128xf32, #tpu.memory_space<vmem>>) dst(%dma_wait3A_549 : memref<128x128xf32, #tpu.memory_space<hbm>>)
      %add3A_554 = arith.constant 0 : i32
      %add3A_555 = arith.addi %mul3A_333, %add3A_554 : i32
      %mul3A_556 = arith.constant 128 : i32
      %mul3A_557 = arith.muli %add3A_555, %mul3A_556 : i32
      %dma_start3A_558 = arith.constant 0 : i32
      %dma_start3A_559 = arith.constant 0 : i32
      %dma_start3A_560 = arith.constant 0 : i32
      %dma_start3A_561 = arith.constant 0 : i32
      %dma_start3A_562 = tpu.memref_slice %arg6[%dma_start3A_558, %dma_start3A_560, %dma_start3A_561] : memref<5x128x128xf32, #tpu.memory_space<vmem>> -> memref<1x128x128xf32, #tpu.memory_space<vmem>>
      %dma_start3A_563 = tpu.memref_squeeze %dma_start3A_562 : memref<1x128x128xf32, #tpu.memory_space<vmem>> -> memref<128x128xf32, #tpu.memory_space<vmem>>
      %dma_start3A_564 = tpu.memref_slice %arg5[%mul3A_557] : memref<6400xi32, #tpu.memory_space<vmem>> -> memref<128xi32, #tpu.memory_space<vmem>>
      %dma_start3A_565 = arith.constant 0 : i32
      %dma_start3A_566 = arith.constant 0 : i32
      %dma_start3A_567 = tpu.memref_slice %arg3[%dma_start3A_565, %dma_start3A_566] : memref<100000x128xf32, #tpu.memory_space<hbm>> -> memref<100000x128xf32, #tpu.memory_space<hbm>>
      %dma_start3A_568 = tpu.memref_slice %arg7[%dma_start3A_559] : memref<5x!tpu.dma_semaphore, #tpu.memory_space<semaphore_mem>> -> memref<1x!tpu.dma_semaphore, #tpu.memory_space<semaphore_mem>>
      %dma_start3A_569 = tpu.memref_squeeze %dma_start3A_568 : memref<1x!tpu.dma_semaphore, #tpu.memory_space<semaphore_mem>> -> memref<!tpu.dma_semaphore, #tpu.memory_space<semaphore_mem>>
      tpu.enqueue_indirect_dma source(%dma_start3A_567 : memref<100000x128xf32, #tpu.memory_space<hbm>>) target(%dma_start3A_563 : memref<128x128xf32, #tpu.memory_space<vmem>>) offsets(%dma_start3A_564 : memref<128xi32, #tpu.memory_space<vmem>>) semaphore(%dma_start3A_569 : memref<!tpu.dma_semaphore, #tpu.memory_space<semaphore_mem>>)
      %dma_wait3A_570 = arith.constant 1 : i32
      %dma_wait3A_571 = arith.constant 1 : i32
      %dma_wait3A_572 = arith.constant 0 : i32
      %dma_wait3A_573 = arith.constant 0 : i32
      %dma_wait3A_574 = tpu.memref_slice %arg6[%dma_wait3A_570, %dma_wait3A_572, %dma_wait3A_573] : memref<5x128x128xf32, #tpu.memory_space<vmem>> -> memref<1x128x128xf32, #tpu.memory_space<vmem>>
      %dma_wait3A_575 = tpu.memref_squeeze %dma_wait3A_574 : memref<1x128x128xf32, #tpu.memory_space<vmem>> -> memref<128x128xf32, #tpu.memory_space<vmem>>
      %dma_wait3A_576 = arith.constant 0 : i32
      %dma_wait3A_577 = tpu.memref_slice %arg4[%mul3A_2, %dma_wait3A_576] : memref<204800x128xf32, #tpu.memory_space<hbm>> -> memref<128x128xf32, #tpu.memory_space<hbm>>
      %dma_wait3A_578 = tpu.memref_slice %arg8[%dma_wait3A_571] : memref<5x!tpu.dma_semaphore, #tpu.memory_space<semaphore_mem>> -> memref<1x!tpu.dma_semaphore, #tpu.memory_space<semaphore_mem>>
      %dma_wait3A_579 = tpu.memref_squeeze %dma_wait3A_578 : memref<1x!tpu.dma_semaphore, #tpu.memory_space<semaphore_mem>> -> memref<!tpu.dma_semaphore, #tpu.memory_space<semaphore_mem>>
      %dma_wait3A_580 = arith.constant 0 : i32
      %dma_wait3A_581 = tpu.memref_slice %arg4[%mul3A_2, %dma_wait3A_580] : memref<204800x128xf32, #tpu.memory_space<hbm>> -> memref<128x128xf32, #tpu.memory_space<hbm>>
      %dma_wait3A_582 = arith.constant 0 : i32
      %dma_wait3A_583 = arith.constant 0 : i32
      %dma_wait3A_584 = tpu.memref_slice %arg6[%dma_wait3A_570, %dma_wait3A_582, %dma_wait3A_583] : memref<5x128x128xf32, #tpu.memory_space<vmem>> -> memref<1x128x128xf32, #tpu.memory_space<vmem>>
      %dma_wait3A_585 = tpu.memref_squeeze %dma_wait3A_584 : memref<1x128x128xf32, #tpu.memory_space<vmem>> -> memref<128x128xf32, #tpu.memory_space<vmem>>
      tpu.wait_dma2 semaphore(%dma_wait3A_579 : memref<!tpu.dma_semaphore, #tpu.memory_space<semaphore_mem>>) src(%dma_wait3A_585 : memref<128x128xf32, #tpu.memory_space<vmem>>) dst(%dma_wait3A_581 : memref<128x128xf32, #tpu.memory_space<hbm>>)
      %add3A_586 = arith.constant 1 : i32
      %add3A_587 = arith.addi %mul3A_333, %add3A_586 : i32
      %mul3A_588 = arith.constant 128 : i32
      %mul3A_589 = arith.muli %add3A_587, %mul3A_588 : i32
      %dma_start3A_590 = arith.constant 1 : i32
      %dma_start3A_591 = arith.constant 1 : i32
      %dma_start3A_592 = arith.constant 0 : i32
      %dma_start3A_593 = arith.constant 0 : i32
      %dma_start3A_594 = tpu.memref_slice %arg6[%dma_start3A_590, %dma_start3A_592, %dma_start3A_593] : memref<5x128x128xf32, #tpu.memory_space<vmem>> -> memref<1x128x128xf32, #tpu.memory_space<vmem>>
      %dma_start3A_595 = tpu.memref_squeeze %dma_start3A_594 : memref<1x128x128xf32, #tpu.memory_space<vmem>> -> memref<128x128xf32, #tpu.memory_space<vmem>>
      %dma_start3A_596 = tpu.memref_slice %arg5[%mul3A_589] : memref<6400xi32, #tpu.memory_space<vmem>> -> memref<128xi32, #tpu.memory_space<vmem>>
      %dma_start3A_597 = arith.constant 0 : i32
      %dma_start3A_598 = arith.constant 0 : i32
      %dma_start3A_599 = tpu.memref_slice %arg3[%dma_start3A_597, %dma_start3A_598] : memref<100000x128xf32, #tpu.memory_space<hbm>> -> memref<100000x128xf32, #tpu.memory_space<hbm>>
      %dma_start3A_600 = tpu.memref_slice %arg7[%dma_start3A_591] : memref<5x!tpu.dma_semaphore, #tpu.memory_space<semaphore_mem>> -> memref<1x!tpu.dma_semaphore, #tpu.memory_space<semaphore_mem>>
      %dma_start3A_601 = tpu.memref_squeeze %dma_start3A_600 : memref<1x!tpu.dma_semaphore, #tpu.memory_space<semaphore_mem>> -> memref<!tpu.dma_semaphore, #tpu.memory_space<semaphore_mem>>
      tpu.enqueue_indirect_dma source(%dma_start3A_599 : memref<100000x128xf32, #tpu.memory_space<hbm>>) target(%dma_start3A_595 : memref<128x128xf32, #tpu.memory_space<vmem>>) offsets(%dma_start3A_596 : memref<128xi32, #tpu.memory_space<vmem>>) semaphore(%dma_start3A_601 : memref<!tpu.dma_semaphore, #tpu.memory_space<semaphore_mem>>)
      %dma_wait3A_602 = arith.constant 2 : i32
      %dma_wait3A_603 = arith.constant 2 : i32
      %dma_wait3A_604 = arith.constant 0 : i32
      %dma_wait3A_605 = arith.constant 0 : i32
      %dma_wait3A_606 = tpu.memref_slice %arg6[%dma_wait3A_602, %dma_wait3A_604, %dma_wait3A_605] : memref<5x128x128xf32, #tpu.memory_space<vmem>> -> memref<1x128x128xf32, #tpu.memory_space<vmem>>
      %dma_wait3A_607 = tpu.memref_squeeze %dma_wait3A_606 : memref<1x128x128xf32, #tpu.memory_space<vmem>> -> memref<128x128xf32, #tpu.memory_space<vmem>>
      %dma_wait3A_608 = arith.constant 0 : i32
      %dma_wait3A_609 = tpu.memref_slice %arg4[%mul3A_2, %dma_wait3A_608] : memref<204800x128xf32, #tpu.memory_space<hbm>> -> memref<128x128xf32, #tpu.memory_space<hbm>>
      %dma_wait3A_610 = tpu.memref_slice %arg8[%dma_wait3A_603] : memref<5x!tpu.dma_semaphore, #tpu.memory_space<semaphore_mem>> -> memref<1x!tpu.dma_semaphore, #tpu.memory_space<semaphore_mem>>
      %dma_wait3A_611 = tpu.memref_squeeze %dma_wait3A_610 : memref<1x!tpu.dma_semaphore, #tpu.memory_space<semaphore_mem>> -> memref<!tpu.dma_semaphore, #tpu.memory_space<semaphore_mem>>
      %dma_wait3A_612 = arith.constant 0 : i32
      %dma_wait3A_613 = tpu.memref_slice %arg4[%mul3A_2, %dma_wait3A_612] : memref<204800x128xf32, #tpu.memory_space<hbm>> -> memref<128x128xf32, #tpu.memory_space<hbm>>
      %dma_wait3A_614 = arith.constant 0 : i32
      %dma_wait3A_615 = arith.constant 0 : i32
      %dma_wait3A_616 = tpu.memref_slice %arg6[%dma_wait3A_602, %dma_wait3A_614, %dma_wait3A_615] : memref<5x128x128xf32, #tpu.memory_space<vmem>> -> memref<1x128x128xf32, #tpu.memory_space<vmem>>
      %dma_wait3A_617 = tpu.memref_squeeze %dma_wait3A_616 : memref<1x128x128xf32, #tpu.memory_space<vmem>> -> memref<128x128xf32, #tpu.memory_space<vmem>>
      tpu.wait_dma2 semaphore(%dma_wait3A_611 : memref<!tpu.dma_semaphore, #tpu.memory_space<semaphore_mem>>) src(%dma_wait3A_617 : memref<128x128xf32, #tpu.memory_space<vmem>>) dst(%dma_wait3A_613 : memref<128x128xf32, #tpu.memory_space<hbm>>)
      %add3A_618 = arith.constant 2 : i32
      %add3A_619 = arith.addi %mul3A_333, %add3A_618 : i32
      %mul3A_620 = arith.constant 128 : i32
      %mul3A_621 = arith.muli %add3A_619, %mul3A_620 : i32
      %dma_start3A_622 = arith.constant 2 : i32
      %dma_start3A_623 = arith.constant 2 : i32
      %dma_start3A_624 = arith.constant 0 : i32
      %dma_start3A_625 = arith.constant 0 : i32
      %dma_start3A_626 = tpu.memref_slice %arg6[%dma_start3A_622, %dma_start3A_624, %dma_start3A_625] : memref<5x128x128xf32, #tpu.memory_space<vmem>> -> memref<1x128x128xf32, #tpu.memory_space<vmem>>
      %dma_start3A_627 = tpu.memref_squeeze %dma_start3A_626 : memref<1x128x128xf32, #tpu.memory_space<vmem>> -> memref<128x128xf32, #tpu.memory_space<vmem>>
      %dma_start3A_628 = tpu.memref_slice %arg5[%mul3A_621] : memref<6400xi32, #tpu.memory_space<vmem>> -> memref<128xi32, #tpu.memory_space<vmem>>
      %dma_start3A_629 = arith.constant 0 : i32
      %dma_start3A_630 = arith.constant 0 : i32
      %dma_start3A_631 = tpu.memref_slice %arg3[%dma_start3A_629, %dma_start3A_630] : memref<100000x128xf32, #tpu.memory_space<hbm>> -> memref<100000x128xf32, #tpu.memory_space<hbm>>
      %dma_start3A_632 = tpu.memref_slice %arg7[%dma_start3A_623] : memref<5x!tpu.dma_semaphore, #tpu.memory_space<semaphore_mem>> -> memref<1x!tpu.dma_semaphore, #tpu.memory_space<semaphore_mem>>
      %dma_start3A_633 = tpu.memref_squeeze %dma_start3A_632 : memref<1x!tpu.dma_semaphore, #tpu.memory_space<semaphore_mem>> -> memref<!tpu.dma_semaphore, #tpu.memory_space<semaphore_mem>>
      tpu.enqueue_indirect_dma source(%dma_start3A_631 : memref<100000x128xf32, #tpu.memory_space<hbm>>) target(%dma_start3A_627 : memref<128x128xf32, #tpu.memory_space<vmem>>) offsets(%dma_start3A_628 : memref<128xi32, #tpu.memory_space<vmem>>) semaphore(%dma_start3A_633 : memref<!tpu.dma_semaphore, #tpu.memory_space<semaphore_mem>>)
      %dma_wait3A_634 = arith.constant 3 : i32
      %dma_wait3A_635 = arith.constant 3 : i32
      %dma_wait3A_636 = arith.constant 0 : i32
      %dma_wait3A_637 = arith.constant 0 : i32
      %dma_wait3A_638 = tpu.memref_slice %arg6[%dma_wait3A_634, %dma_wait3A_636, %dma_wait3A_637] : memref<5x128x128xf32, #tpu.memory_space<vmem>> -> memref<1x128x128xf32, #tpu.memory_space<vmem>>
      %dma_wait3A_639 = tpu.memref_squeeze %dma_wait3A_638 : memref<1x128x128xf32, #tpu.memory_space<vmem>> -> memref<128x128xf32, #tpu.memory_space<vmem>>
      %dma_wait3A_640 = arith.constant 0 : i32
      %dma_wait3A_641 = tpu.memref_slice %arg4[%mul3A_2, %dma_wait3A_640] : memref<204800x128xf32, #tpu.memory_space<hbm>> -> memref<128x128xf32, #tpu.memory_space<hbm>>
      %dma_wait3A_642 = tpu.memref_slice %arg8[%dma_wait3A_635] : memref<5x!tpu.dma_semaphore, #tpu.memory_space<semaphore_mem>> -> memref<1x!tpu.dma_semaphore, #tpu.memory_space<semaphore_mem>>
      %dma_wait3A_643 = tpu.memref_squeeze %dma_wait3A_642 : memref<1x!tpu.dma_semaphore, #tpu.memory_space<semaphore_mem>> -> memref<!tpu.dma_semaphore, #tpu.memory_space<semaphore_mem>>
      %dma_wait3A_644 = arith.constant 0 : i32
      %dma_wait3A_645 = tpu.memref_slice %arg4[%mul3A_2, %dma_wait3A_644] : memref<204800x128xf32, #tpu.memory_space<hbm>> -> memref<128x128xf32, #tpu.memory_space<hbm>>
      %dma_wait3A_646 = arith.constant 0 : i32
      %dma_wait3A_647 = arith.constant 0 : i32
      %dma_wait3A_648 = tpu.memref_slice %arg6[%dma_wait3A_634, %dma_wait3A_646, %dma_wait3A_647] : memref<5x128x128xf32, #tpu.memory_space<vmem>> -> memref<1x128x128xf32, #tpu.memory_space<vmem>>
      %dma_wait3A_649 = tpu.memref_squeeze %dma_wait3A_648 : memref<1x128x128xf32, #tpu.memory_space<vmem>> -> memref<128x128xf32, #tpu.memory_space<vmem>>
      tpu.wait_dma2 semaphore(%dma_wait3A_643 : memref<!tpu.dma_semaphore, #tpu.memory_space<semaphore_mem>>) src(%dma_wait3A_649 : memref<128x128xf32, #tpu.memory_space<vmem>>) dst(%dma_wait3A_645 : memref<128x128xf32, #tpu.memory_space<hbm>>)
      %add3A_650 = arith.constant 3 : i32
      %add3A_651 = arith.addi %mul3A_333, %add3A_650 : i32
      %mul3A_652 = arith.constant 128 : i32
      %mul3A_653 = arith.muli %add3A_651, %mul3A_652 : i32
      %dma_start3A_654 = arith.constant 3 : i32
      %dma_start3A_655 = arith.constant 3 : i32
      %dma_start3A_656 = arith.constant 0 : i32
      %dma_start3A_657 = arith.constant 0 : i32
      %dma_start3A_658 = tpu.memref_slice %arg6[%dma_start3A_654, %dma_start3A_656, %dma_start3A_657] : memref<5x128x128xf32, #tpu.memory_space<vmem>> -> memref<1x128x128xf32, #tpu.memory_space<vmem>>
      %dma_start3A_659 = tpu.memref_squeeze %dma_start3A_658 : memref<1x128x128xf32, #tpu.memory_space<vmem>> -> memref<128x128xf32, #tpu.memory_space<vmem>>
      %dma_start3A_660 = tpu.memref_slice %arg5[%mul3A_653] : memref<6400xi32, #tpu.memory_space<vmem>> -> memref<128xi32, #tpu.memory_space<vmem>>
      %dma_start3A_661 = arith.constant 0 : i32
      %dma_start3A_662 = arith.constant 0 : i32
      %dma_start3A_663 = tpu.memref_slice %arg3[%dma_start3A_661, %dma_start3A_662] : memref<100000x128xf32, #tpu.memory_space<hbm>> -> memref<100000x128xf32, #tpu.memory_space<hbm>>
      %dma_start3A_664 = tpu.memref_slice %arg7[%dma_start3A_655] : memref<5x!tpu.dma_semaphore, #tpu.memory_space<semaphore_mem>> -> memref<1x!tpu.dma_semaphore, #tpu.memory_space<semaphore_mem>>
      %dma_start3A_665 = tpu.memref_squeeze %dma_start3A_664 : memref<1x!tpu.dma_semaphore, #tpu.memory_space<semaphore_mem>> -> memref<!tpu.dma_semaphore, #tpu.memory_space<semaphore_mem>>
      tpu.enqueue_indirect_dma source(%dma_start3A_663 : memref<100000x128xf32, #tpu.memory_space<hbm>>) target(%dma_start3A_659 : memref<128x128xf32, #tpu.memory_space<vmem>>) offsets(%dma_start3A_660 : memref<128xi32, #tpu.memory_space<vmem>>) semaphore(%dma_start3A_665 : memref<!tpu.dma_semaphore, #tpu.memory_space<semaphore_mem>>)
      %dma_wait3A_666 = arith.constant 4 : i32
      %dma_wait3A_667 = arith.constant 4 : i32
      %dma_wait3A_668 = arith.constant 0 : i32
      %dma_wait3A_669 = arith.constant 0 : i32
      %dma_wait3A_670 = tpu.memref_slice %arg6[%dma_wait3A_666, %dma_wait3A_668, %dma_wait3A_669] : memref<5x128x128xf32, #tpu.memory_space<vmem>> -> memref<1x128x128xf32, #tpu.memory_space<vmem>>
      %dma_wait3A_671 = tpu.memref_squeeze %dma_wait3A_670 : memref<1x128x128xf32, #tpu.memory_space<vmem>> -> memref<128x128xf32, #tpu.memory_space<vmem>>
      %dma_wait3A_672 = arith.constant 0 : i32
      %dma_wait3A_673 = tpu.memref_slice %arg4[%mul3A_2, %dma_wait3A_672] : memref<204800x128xf32, #tpu.memory_space<hbm>> -> memref<128x128xf32, #tpu.memory_space<hbm>>
      %dma_wait3A_674 = tpu.memref_slice %arg8[%dma_wait3A_667] : memref<5x!tpu.dma_semaphore, #tpu.memory_space<semaphore_mem>> -> memref<1x!tpu.dma_semaphore, #tpu.memory_space<semaphore_mem>>
      %dma_wait3A_675 = tpu.memref_squeeze %dma_wait3A_674 : memref<1x!tpu.dma_semaphore, #tpu.memory_space<semaphore_mem>> -> memref<!tpu.dma_semaphore, #tpu.memory_space<semaphore_mem>>
      %dma_wait3A_676 = arith.constant 0 : i32
      %dma_wait3A_677 = tpu.memref_slice %arg4[%mul3A_2, %dma_wait3A_676] : memref<204800x128xf32, #tpu.memory_space<hbm>> -> memref<128x128xf32, #tpu.memory_space<hbm>>
      %dma_wait3A_678 = arith.constant 0 : i32
      %dma_wait3A_679 = arith.constant 0 : i32
      %dma_wait3A_680 = tpu.memref_slice %arg6[%dma_wait3A_666, %dma_wait3A_678, %dma_wait3A_679] : memref<5x128x128xf32, #tpu.memory_space<vmem>> -> memref<1x128x128xf32, #tpu.memory_space<vmem>>
      %dma_wait3A_681 = tpu.memref_squeeze %dma_wait3A_680 : memref<1x128x128xf32, #tpu.memory_space<vmem>> -> memref<128x128xf32, #tpu.memory_space<vmem>>
      tpu.wait_dma2 semaphore(%dma_wait3A_675 : memref<!tpu.dma_semaphore, #tpu.memory_space<semaphore_mem>>) src(%dma_wait3A_681 : memref<128x128xf32, #tpu.memory_space<vmem>>) dst(%dma_wait3A_677 : memref<128x128xf32, #tpu.memory_space<hbm>>)
      %add3A_682 = arith.constant 4 : i32
      %add3A_683 = arith.addi %mul3A_333, %add3A_682 : i32
      %mul3A_684 = arith.constant 128 : i32
      %mul3A_685 = arith.muli %add3A_683, %mul3A_684 : i32
      %dma_start3A_686 = arith.constant 4 : i32
      %dma_start3A_687 = arith.constant 4 : i32
      %dma_start3A_688 = arith.constant 0 : i32
      %dma_start3A_689 = arith.constant 0 : i32
      %dma_start3A_690 = tpu.memref_slice %arg6[%dma_start3A_686, %dma_start3A_688, %dma_start3A_689] : memref<5x128x128xf32, #tpu.memory_space<vmem>> -> memref<1x128x128xf32, #tpu.memory_space<vmem>>
      %dma_start3A_691 = tpu.memref_squeeze %dma_start3A_690 : memref<1x128x128xf32, #tpu.memory_space<vmem>> -> memref<128x128xf32, #tpu.memory_space<vmem>>
      %dma_start3A_692 = tpu.memref_slice %arg5[%mul3A_685] : memref<6400xi32, #tpu.memory_space<vmem>> -> memref<128xi32, #tpu.memory_space<vmem>>
      %dma_start3A_693 = arith.constant 0 : i32
      %dma_start3A_694 = arith.constant 0 : i32
      %dma_start3A_695 = tpu.memref_slice %arg3[%dma_start3A_693, %dma_start3A_694] : memref<100000x128xf32, #tpu.memory_space<hbm>> -> memref<100000x128xf32, #tpu.memory_space<hbm>>
      %dma_start3A_696 = tpu.memref_slice %arg7[%dma_start3A_687] : memref<5x!tpu.dma_semaphore, #tpu.memory_space<semaphore_mem>> -> memref<1x!tpu.dma_semaphore, #tpu.memory_space<semaphore_mem>>
      %dma_start3A_697 = tpu.memref_squeeze %dma_start3A_696 : memref<1x!tpu.dma_semaphore, #tpu.memory_space<semaphore_mem>> -> memref<!tpu.dma_semaphore, #tpu.memory_space<semaphore_mem>>
      tpu.enqueue_indirect_dma source(%dma_start3A_695 : memref<100000x128xf32, #tpu.memory_space<hbm>>) target(%dma_start3A_691 : memref<128x128xf32, #tpu.memory_space<vmem>>) offsets(%dma_start3A_692 : memref<128xi32, #tpu.memory_space<vmem>>) semaphore(%dma_start3A_697 : memref<!tpu.dma_semaphore, #tpu.memory_space<semaphore_mem>>)
    }
    %scan3A_71 = arith.constant 9 : i32
    %dma_wait3A = arith.constant 0 : i32
    %dma_wait3A_72 = arith.constant 0 : i32
    %dma_wait3A_73 = arith.constant 0 : i32
    %dma_wait3A_74 = arith.constant 0 : i32
    %dma_wait3A_75 = tpu.memref_slice %arg6[%dma_wait3A, %dma_wait3A_73, %dma_wait3A_74] : memref<5x128x128xf32, #tpu.memory_space<vmem>> -> memref<1x128x128xf32, #tpu.memory_space<vmem>>
    %dma_wait3A_76 = tpu.memref_squeeze %dma_wait3A_75 : memref<1x128x128xf32, #tpu.memory_space<vmem>> -> memref<128x128xf32, #tpu.memory_space<vmem>>
    %dma_wait3A_77 = arith.constant 0 : i32
    %dma_wait3A_78 = arith.constant 0 : i32
    %dma_wait3A_79 = tpu.memref_slice %arg3[%dma_wait3A_77, %dma_wait3A_78] : memref<100000x128xf32, #tpu.memory_space<hbm>> -> memref<128x128xf32, #tpu.memory_space<hbm>>
    %dma_wait3A_80 = tpu.memref_slice %arg7[%dma_wait3A_72] : memref<5x!tpu.dma_semaphore, #tpu.memory_space<semaphore_mem>> -> memref<1x!tpu.dma_semaphore, #tpu.memory_space<semaphore_mem>>
    %dma_wait3A_81 = tpu.memref_squeeze %dma_wait3A_80 : memref<1x!tpu.dma_semaphore, #tpu.memory_space<semaphore_mem>> -> memref<!tpu.dma_semaphore, #tpu.memory_space<semaphore_mem>>
    %dma_wait3A_82 = arith.constant 0 : i32
    %dma_wait3A_83 = arith.constant 0 : i32
    %dma_wait3A_84 = tpu.memref_slice %arg6[%dma_wait3A, %dma_wait3A_82, %dma_wait3A_83] : memref<5x128x128xf32, #tpu.memory_space<vmem>> -> memref<1x128x128xf32, #tpu.memory_space<vmem>>
    %dma_wait3A_85 = tpu.memref_squeeze %dma_wait3A_84 : memref<1x128x128xf32, #tpu.memory_space<vmem>> -> memref<128x128xf32, #tpu.memory_space<vmem>>
    %dma_wait3A_86 = arith.constant 0 : i32
    %dma_wait3A_87 = arith.constant 0 : i32
    %dma_wait3A_88 = tpu.memref_slice %arg3[%dma_wait3A_86, %dma_wait3A_87] : memref<100000x128xf32, #tpu.memory_space<hbm>> -> memref<128x128xf32, #tpu.memory_space<hbm>>
    tpu.wait_dma2 semaphore(%dma_wait3A_81 : memref<!tpu.dma_semaphore, #tpu.memory_space<semaphore_mem>>) src(%dma_wait3A_88 : memref<128x128xf32, #tpu.memory_space<hbm>>) dst(%dma_wait3A_85 : memref<128x128xf32, #tpu.memory_space<vmem>>)
    %add3A_89 = arith.constant 5760 : i32
    %add3A_90 = arith.addi %mul3A_2, %add3A_89 : i32
    %dma_start3A_91 = arith.constant 0 : i32
    %dma_start3A_92 = arith.constant 0 : i32
    %dma_start3A_93 = arith.constant 0 : i32
    %dma_start3A_94 = arith.constant 0 : i32
    %dma_start3A_95 = tpu.memref_slice %arg6[%dma_start3A_91, %dma_start3A_93, %dma_start3A_94] : memref<5x128x128xf32, #tpu.memory_space<vmem>> -> memref<1x128x128xf32, #tpu.memory_space<vmem>>
    %dma_start3A_96 = tpu.memref_squeeze %dma_start3A_95 : memref<1x128x128xf32, #tpu.memory_space<vmem>> -> memref<128x128xf32, #tpu.memory_space<vmem>>
    %dma_start3A_97 = arith.constant 0 : i32
    %dma_start3A_98 = tpu.memref_slice %arg4[%add3A_90, %dma_start3A_97] : memref<204800x128xf32, #tpu.memory_space<hbm>> -> memref<128x128xf32, #tpu.memory_space<hbm>>
    %dma_start3A_99 = tpu.memref_slice %arg8[%dma_start3A_92] : memref<5x!tpu.dma_semaphore, #tpu.memory_space<semaphore_mem>> -> memref<1x!tpu.dma_semaphore, #tpu.memory_space<semaphore_mem>>
    %dma_start3A_100 = tpu.memref_squeeze %dma_start3A_99 : memref<1x!tpu.dma_semaphore, #tpu.memory_space<semaphore_mem>> -> memref<!tpu.dma_semaphore, #tpu.memory_space<semaphore_mem>>
    %dma_start3A_101 = arith.constant 0 : i32
    %dma_start3A_102 = tpu.memref_slice %arg4[%add3A_90, %dma_start3A_101] : memref<204800x128xf32, #tpu.memory_space<hbm>> -> memref<128x128xf32, #tpu.memory_space<hbm>>
    %dma_start3A_103 = arith.constant 0 : i32
    %dma_start3A_104 = arith.constant 0 : i32
    %dma_start3A_105 = tpu.memref_slice %arg6[%dma_start3A_91, %dma_start3A_103, %dma_start3A_104] : memref<5x128x128xf32, #tpu.memory_space<vmem>> -> memref<1x128x128xf32, #tpu.memory_space<vmem>>
    %dma_start3A_106 = tpu.memref_squeeze %dma_start3A_105 : memref<1x128x128xf32, #tpu.memory_space<vmem>> -> memref<128x128xf32, #tpu.memory_space<vmem>>
    tpu.enqueue_dma source(%dma_start3A_106 : memref<128x128xf32, #tpu.memory_space<vmem>>) target(%dma_start3A_102 : memref<128x128xf32, #tpu.memory_space<hbm>>) target_semaphore(%dma_start3A_100 : memref<!tpu.dma_semaphore, #tpu.memory_space<semaphore_mem>>)
    %dma_wait3A_107 = arith.constant 1 : i32
    %dma_wait3A_108 = arith.constant 1 : i32
    %dma_wait3A_109 = arith.constant 0 : i32
    %dma_wait3A_110 = arith.constant 0 : i32
    %dma_wait3A_111 = tpu.memref_slice %arg6[%dma_wait3A_107, %dma_wait3A_109, %dma_wait3A_110] : memref<5x128x128xf32, #tpu.memory_space<vmem>> -> memref<1x128x128xf32, #tpu.memory_space<vmem>>
    %dma_wait3A_112 = tpu.memref_squeeze %dma_wait3A_111 : memref<1x128x128xf32, #tpu.memory_space<vmem>> -> memref<128x128xf32, #tpu.memory_space<vmem>>
    %dma_wait3A_113 = arith.constant 0 : i32
    %dma_wait3A_114 = arith.constant 0 : i32
    %dma_wait3A_115 = tpu.memref_slice %arg3[%dma_wait3A_113, %dma_wait3A_114] : memref<100000x128xf32, #tpu.memory_space<hbm>> -> memref<128x128xf32, #tpu.memory_space<hbm>>
    %dma_wait3A_116 = tpu.memref_slice %arg7[%dma_wait3A_108] : memref<5x!tpu.dma_semaphore, #tpu.memory_space<semaphore_mem>> -> memref<1x!tpu.dma_semaphore, #tpu.memory_space<semaphore_mem>>
    %dma_wait3A_117 = tpu.memref_squeeze %dma_wait3A_116 : memref<1x!tpu.dma_semaphore, #tpu.memory_space<semaphore_mem>> -> memref<!tpu.dma_semaphore, #tpu.memory_space<semaphore_mem>>
    %dma_wait3A_118 = arith.constant 0 : i32
    %dma_wait3A_119 = arith.constant 0 : i32
    %dma_wait3A_120 = tpu.memref_slice %arg6[%dma_wait3A_107, %dma_wait3A_118, %dma_wait3A_119] : memref<5x128x128xf32, #tpu.memory_space<vmem>> -> memref<1x128x128xf32, #tpu.memory_space<vmem>>
    %dma_wait3A_121 = tpu.memref_squeeze %dma_wait3A_120 : memref<1x128x128xf32, #tpu.memory_space<vmem>> -> memref<128x128xf32, #tpu.memory_space<vmem>>
    %dma_wait3A_122 = arith.constant 0 : i32
    %dma_wait3A_123 = arith.constant 0 : i32
    %dma_wait3A_124 = tpu.memref_slice %arg3[%dma_wait3A_122, %dma_wait3A_123] : memref<100000x128xf32, #tpu.memory_space<hbm>> -> memref<128x128xf32, #tpu.memory_space<hbm>>
    tpu.wait_dma2 semaphore(%dma_wait3A_117 : memref<!tpu.dma_semaphore, #tpu.memory_space<semaphore_mem>>) src(%dma_wait3A_124 : memref<128x128xf32, #tpu.memory_space<hbm>>) dst(%dma_wait3A_121 : memref<128x128xf32, #tpu.memory_space<vmem>>)
    %add3A_125 = arith.constant 5888 : i32
    %add3A_126 = arith.addi %mul3A_2, %add3A_125 : i32
    %dma_start3A_127 = arith.constant 1 : i32
    %dma_start3A_128 = arith.constant 1 : i32
    %dma_start3A_129 = arith.constant 0 : i32
    %dma_start3A_130 = arith.constant 0 : i32
    %dma_start3A_131 = tpu.memref_slice %arg6[%dma_start3A_127, %dma_start3A_129, %dma_start3A_130] : memref<5x128x128xf32, #tpu.memory_space<vmem>> -> memref<1x128x128xf32, #tpu.memory_space<vmem>>
    %dma_start3A_132 = tpu.memref_squeeze %dma_start3A_131 : memref<1x128x128xf32, #tpu.memory_space<vmem>> -> memref<128x128xf32, #tpu.memory_space<vmem>>
    %dma_start3A_133 = arith.constant 0 : i32
    %dma_start3A_134 = tpu.memref_slice %arg4[%add3A_126, %dma_start3A_133] : memref<204800x128xf32, #tpu.memory_space<hbm>> -> memref<128x128xf32, #tpu.memory_space<hbm>>
    %dma_start3A_135 = tpu.memref_slice %arg8[%dma_start3A_128] : memref<5x!tpu.dma_semaphore, #tpu.memory_space<semaphore_mem>> -> memref<1x!tpu.dma_semaphore, #tpu.memory_space<semaphore_mem>>
    %dma_start3A_136 = tpu.memref_squeeze %dma_start3A_135 : memref<1x!tpu.dma_semaphore, #tpu.memory_space<semaphore_mem>> -> memref<!tpu.dma_semaphore, #tpu.memory_space<semaphore_mem>>
    %dma_start3A_137 = arith.constant 0 : i32
    %dma_start3A_138 = tpu.memref_slice %arg4[%add3A_126, %dma_start3A_137] : memref<204800x128xf32, #tpu.memory_space<hbm>> -> memref<128x128xf32, #tpu.memory_space<hbm>>
    %dma_start3A_139 = arith.constant 0 : i32
    %dma_start3A_140 = arith.constant 0 : i32
    %dma_start3A_141 = tpu.memref_slice %arg6[%dma_start3A_127, %dma_start3A_139, %dma_start3A_140] : memref<5x128x128xf32, #tpu.memory_space<vmem>> -> memref<1x128x128xf32, #tpu.memory_space<vmem>>
    %dma_start3A_142 = tpu.memref_squeeze %dma_start3A_141 : memref<1x128x128xf32, #tpu.memory_space<vmem>> -> memref<128x128xf32, #tpu.memory_space<vmem>>
    tpu.enqueue_dma source(%dma_start3A_142 : memref<128x128xf32, #tpu.memory_space<vmem>>) target(%dma_start3A_138 : memref<128x128xf32, #tpu.memory_space<hbm>>) target_semaphore(%dma_start3A_136 : memref<!tpu.dma_semaphore, #tpu.memory_space<semaphore_mem>>)
    %dma_wait3A_143 = arith.constant 2 : i32
    %dma_wait3A_144 = arith.constant 2 : i32
    %dma_wait3A_145 = arith.constant 0 : i32
    %dma_wait3A_146 = arith.constant 0 : i32
    %dma_wait3A_147 = tpu.memref_slice %arg6[%dma_wait3A_143, %dma_wait3A_145, %dma_wait3A_146] : memref<5x128x128xf32, #tpu.memory_space<vmem>> -> memref<1x128x128xf32, #tpu.memory_space<vmem>>
    %dma_wait3A_148 = tpu.memref_squeeze %dma_wait3A_147 : memref<1x128x128xf32, #tpu.memory_space<vmem>> -> memref<128x128xf32, #tpu.memory_space<vmem>>
    %dma_wait3A_149 = arith.constant 0 : i32
    %dma_wait3A_150 = arith.constant 0 : i32
    %dma_wait3A_151 = tpu.memref_slice %arg3[%dma_wait3A_149, %dma_wait3A_150] : memref<100000x128xf32, #tpu.memory_space<hbm>> -> memref<128x128xf32, #tpu.memory_space<hbm>>
    %dma_wait3A_152 = tpu.memref_slice %arg7[%dma_wait3A_144] : memref<5x!tpu.dma_semaphore, #tpu.memory_space<semaphore_mem>> -> memref<1x!tpu.dma_semaphore, #tpu.memory_space<semaphore_mem>>
    %dma_wait3A_153 = tpu.memref_squeeze %dma_wait3A_152 : memref<1x!tpu.dma_semaphore, #tpu.memory_space<semaphore_mem>> -> memref<!tpu.dma_semaphore, #tpu.memory_space<semaphore_mem>>
    %dma_wait3A_154 = arith.constant 0 : i32
    %dma_wait3A_155 = arith.constant 0 : i32
    %dma_wait3A_156 = tpu.memref_slice %arg6[%dma_wait3A_143, %dma_wait3A_154, %dma_wait3A_155] : memref<5x128x128xf32, #tpu.memory_space<vmem>> -> memref<1x128x128xf32, #tpu.memory_space<vmem>>
    %dma_wait3A_157 = tpu.memref_squeeze %dma_wait3A_156 : memref<1x128x128xf32, #tpu.memory_space<vmem>> -> memref<128x128xf32, #tpu.memory_space<vmem>>
    %dma_wait3A_158 = arith.constant 0 : i32
    %dma_wait3A_159 = arith.constant 0 : i32
    %dma_wait3A_160 = tpu.memref_slice %arg3[%dma_wait3A_158, %dma_wait3A_159] : memref<100000x128xf32, #tpu.memory_space<hbm>> -> memref<128x128xf32, #tpu.memory_space<hbm>>
    tpu.wait_dma2 semaphore(%dma_wait3A_153 : memref<!tpu.dma_semaphore, #tpu.memory_space<semaphore_mem>>) src(%dma_wait3A_160 : memref<128x128xf32, #tpu.memory_space<hbm>>) dst(%dma_wait3A_157 : memref<128x128xf32, #tpu.memory_space<vmem>>)
    %add3A_161 = arith.constant 6016 : i32
    %add3A_162 = arith.addi %mul3A_2, %add3A_161 : i32
    %dma_start3A_163 = arith.constant 2 : i32
    %dma_start3A_164 = arith.constant 2 : i32
    %dma_start3A_165 = arith.constant 0 : i32
    %dma_start3A_166 = arith.constant 0 : i32
    %dma_start3A_167 = tpu.memref_slice %arg6[%dma_start3A_163, %dma_start3A_165, %dma_start3A_166] : memref<5x128x128xf32, #tpu.memory_space<vmem>> -> memref<1x128x128xf32, #tpu.memory_space<vmem>>
    %dma_start3A_168 = tpu.memref_squeeze %dma_start3A_167 : memref<1x128x128xf32, #tpu.memory_space<vmem>> -> memref<128x128xf32, #tpu.memory_space<vmem>>
    %dma_start3A_169 = arith.constant 0 : i32
    %dma_start3A_170 = tpu.memref_slice %arg4[%add3A_162, %dma_start3A_169] : memref<204800x128xf32, #tpu.memory_space<hbm>> -> memref<128x128xf32, #tpu.memory_space<hbm>>
    %dma_start3A_171 = tpu.memref_slice %arg8[%dma_start3A_164] : memref<5x!tpu.dma_semaphore, #tpu.memory_space<semaphore_mem>> -> memref<1x!tpu.dma_semaphore, #tpu.memory_space<semaphore_mem>>
    %dma_start3A_172 = tpu.memref_squeeze %dma_start3A_171 : memref<1x!tpu.dma_semaphore, #tpu.memory_space<semaphore_mem>> -> memref<!tpu.dma_semaphore, #tpu.memory_space<semaphore_mem>>
    %dma_start3A_173 = arith.constant 0 : i32
    %dma_start3A_174 = tpu.memref_slice %arg4[%add3A_162, %dma_start3A_173] : memref<204800x128xf32, #tpu.memory_space<hbm>> -> memref<128x128xf32, #tpu.memory_space<hbm>>
    %dma_start3A_175 = arith.constant 0 : i32
    %dma_start3A_176 = arith.constant 0 : i32
    %dma_start3A_177 = tpu.memref_slice %arg6[%dma_start3A_163, %dma_start3A_175, %dma_start3A_176] : memref<5x128x128xf32, #tpu.memory_space<vmem>> -> memref<1x128x128xf32, #tpu.memory_space<vmem>>
    %dma_start3A_178 = tpu.memref_squeeze %dma_start3A_177 : memref<1x128x128xf32, #tpu.memory_space<vmem>> -> memref<128x128xf32, #tpu.memory_space<vmem>>
    tpu.enqueue_dma source(%dma_start3A_178 : memref<128x128xf32, #tpu.memory_space<vmem>>) target(%dma_start3A_174 : memref<128x128xf32, #tpu.memory_space<hbm>>) target_semaphore(%dma_start3A_172 : memref<!tpu.dma_semaphore, #tpu.memory_space<semaphore_mem>>)
    %dma_wait3A_179 = arith.constant 3 : i32
    %dma_wait3A_180 = arith.constant 3 : i32
    %dma_wait3A_181 = arith.constant 0 : i32
    %dma_wait3A_182 = arith.constant 0 : i32
    %dma_wait3A_183 = tpu.memref_slice %arg6[%dma_wait3A_179, %dma_wait3A_181, %dma_wait3A_182] : memref<5x128x128xf32, #tpu.memory_space<vmem>> -> memref<1x128x128xf32, #tpu.memory_space<vmem>>
    %dma_wait3A_184 = tpu.memref_squeeze %dma_wait3A_183 : memref<1x128x128xf32, #tpu.memory_space<vmem>> -> memref<128x128xf32, #tpu.memory_space<vmem>>
    %dma_wait3A_185 = arith.constant 0 : i32
    %dma_wait3A_186 = arith.constant 0 : i32
    %dma_wait3A_187 = tpu.memref_slice %arg3[%dma_wait3A_185, %dma_wait3A_186] : memref<100000x128xf32, #tpu.memory_space<hbm>> -> memref<128x128xf32, #tpu.memory_space<hbm>>
    %dma_wait3A_188 = tpu.memref_slice %arg7[%dma_wait3A_180] : memref<5x!tpu.dma_semaphore, #tpu.memory_space<semaphore_mem>> -> memref<1x!tpu.dma_semaphore, #tpu.memory_space<semaphore_mem>>
    %dma_wait3A_189 = tpu.memref_squeeze %dma_wait3A_188 : memref<1x!tpu.dma_semaphore, #tpu.memory_space<semaphore_mem>> -> memref<!tpu.dma_semaphore, #tpu.memory_space<semaphore_mem>>
    %dma_wait3A_190 = arith.constant 0 : i32
    %dma_wait3A_191 = arith.constant 0 : i32
    %dma_wait3A_192 = tpu.memref_slice %arg6[%dma_wait3A_179, %dma_wait3A_190, %dma_wait3A_191] : memref<5x128x128xf32, #tpu.memory_space<vmem>> -> memref<1x128x128xf32, #tpu.memory_space<vmem>>
    %dma_wait3A_193 = tpu.memref_squeeze %dma_wait3A_192 : memref<1x128x128xf32, #tpu.memory_space<vmem>> -> memref<128x128xf32, #tpu.memory_space<vmem>>
    %dma_wait3A_194 = arith.constant 0 : i32
    %dma_wait3A_195 = arith.constant 0 : i32
    %dma_wait3A_196 = tpu.memref_slice %arg3[%dma_wait3A_194, %dma_wait3A_195] : memref<100000x128xf32, #tpu.memory_space<hbm>> -> memref<128x128xf32, #tpu.memory_space<hbm>>
    tpu.wait_dma2 semaphore(%dma_wait3A_189 : memref<!tpu.dma_semaphore, #tpu.memory_space<semaphore_mem>>) src(%dma_wait3A_196 : memref<128x128xf32, #tpu.memory_space<hbm>>) dst(%dma_wait3A_193 : memref<128x128xf32, #tpu.memory_space<vmem>>)
    %add3A_197 = arith.constant 6144 : i32
    %add3A_198 = arith.addi %mul3A_2, %add3A_197 : i32
    %dma_start3A_199 = arith.constant 3 : i32
    %dma_start3A_200 = arith.constant 3 : i32
    %dma_start3A_201 = arith.constant 0 : i32
    %dma_start3A_202 = arith.constant 0 : i32
    %dma_start3A_203 = tpu.memref_slice %arg6[%dma_start3A_199, %dma_start3A_201, %dma_start3A_202] : memref<5x128x128xf32, #tpu.memory_space<vmem>> -> memref<1x128x128xf32, #tpu.memory_space<vmem>>
    %dma_start3A_204 = tpu.memref_squeeze %dma_start3A_203 : memref<1x128x128xf32, #tpu.memory_space<vmem>> -> memref<128x128xf32, #tpu.memory_space<vmem>>
    %dma_start3A_205 = arith.constant 0 : i32
    %dma_start3A_206 = tpu.memref_slice %arg4[%add3A_198, %dma_start3A_205] : memref<204800x128xf32, #tpu.memory_space<hbm>> -> memref<128x128xf32, #tpu.memory_space<hbm>>
    %dma_start3A_207 = tpu.memref_slice %arg8[%dma_start3A_200] : memref<5x!tpu.dma_semaphore, #tpu.memory_space<semaphore_mem>> -> memref<1x!tpu.dma_semaphore, #tpu.memory_space<semaphore_mem>>
    %dma_start3A_208 = tpu.memref_squeeze %dma_start3A_207 : memref<1x!tpu.dma_semaphore, #tpu.memory_space<semaphore_mem>> -> memref<!tpu.dma_semaphore, #tpu.memory_space<semaphore_mem>>
    %dma_start3A_209 = arith.constant 0 : i32
    %dma_start3A_210 = tpu.memref_slice %arg4[%add3A_198, %dma_start3A_209] : memref<204800x128xf32, #tpu.memory_space<hbm>> -> memref<128x128xf32, #tpu.memory_space<hbm>>
    %dma_start3A_211 = arith.constant 0 : i32
    %dma_start3A_212 = arith.constant 0 : i32
    %dma_start3A_213 = tpu.memref_slice %arg6[%dma_start3A_199, %dma_start3A_211, %dma_start3A_212] : memref<5x128x128xf32, #tpu.memory_space<vmem>> -> memref<1x128x128xf32, #tpu.memory_space<vmem>>
    %dma_start3A_214 = tpu.memref_squeeze %dma_start3A_213 : memref<1x128x128xf32, #tpu.memory_space<vmem>> -> memref<128x128xf32, #tpu.memory_space<vmem>>
    tpu.enqueue_dma source(%dma_start3A_214 : memref<128x128xf32, #tpu.memory_space<vmem>>) target(%dma_start3A_210 : memref<128x128xf32, #tpu.memory_space<hbm>>) target_semaphore(%dma_start3A_208 : memref<!tpu.dma_semaphore, #tpu.memory_space<semaphore_mem>>)
    %dma_wait3A_215 = arith.constant 4 : i32
    %dma_wait3A_216 = arith.constant 4 : i32
    %dma_wait3A_217 = arith.constant 0 : i32
    %dma_wait3A_218 = arith.constant 0 : i32
    %dma_wait3A_219 = tpu.memref_slice %arg6[%dma_wait3A_215, %dma_wait3A_217, %dma_wait3A_218] : memref<5x128x128xf32, #tpu.memory_space<vmem>> -> memref<1x128x128xf32, #tpu.memory_space<vmem>>
    %dma_wait3A_220 = tpu.memref_squeeze %dma_wait3A_219 : memref<1x128x128xf32, #tpu.memory_space<vmem>> -> memref<128x128xf32, #tpu.memory_space<vmem>>
    %dma_wait3A_221 = arith.constant 0 : i32
    %dma_wait3A_222 = arith.constant 0 : i32
    %dma_wait3A_223 = tpu.memref_slice %arg3[%dma_wait3A_221, %dma_wait3A_222] : memref<100000x128xf32, #tpu.memory_space<hbm>> -> memref<128x128xf32, #tpu.memory_space<hbm>>
    %dma_wait3A_224 = tpu.memref_slice %arg7[%dma_wait3A_216] : memref<5x!tpu.dma_semaphore, #tpu.memory_space<semaphore_mem>> -> memref<1x!tpu.dma_semaphore, #tpu.memory_space<semaphore_mem>>
    %dma_wait3A_225 = tpu.memref_squeeze %dma_wait3A_224 : memref<1x!tpu.dma_semaphore, #tpu.memory_space<semaphore_mem>> -> memref<!tpu.dma_semaphore, #tpu.memory_space<semaphore_mem>>
    %dma_wait3A_226 = arith.constant 0 : i32
    %dma_wait3A_227 = arith.constant 0 : i32
    %dma_wait3A_228 = tpu.memref_slice %arg6[%dma_wait3A_215, %dma_wait3A_226, %dma_wait3A_227] : memref<5x128x128xf32, #tpu.memory_space<vmem>> -> memref<1x128x128xf32, #tpu.memory_space<vmem>>
    %dma_wait3A_229 = tpu.memref_squeeze %dma_wait3A_228 : memref<1x128x128xf32, #tpu.memory_space<vmem>> -> memref<128x128xf32, #tpu.memory_space<vmem>>
    %dma_wait3A_230 = arith.constant 0 : i32
    %dma_wait3A_231 = arith.constant 0 : i32
    %dma_wait3A_232 = tpu.memref_slice %arg3[%dma_wait3A_230, %dma_wait3A_231] : memref<100000x128xf32, #tpu.memory_space<hbm>> -> memref<128x128xf32, #tpu.memory_space<hbm>>
    tpu.wait_dma2 semaphore(%dma_wait3A_225 : memref<!tpu.dma_semaphore, #tpu.memory_space<semaphore_mem>>) src(%dma_wait3A_232 : memref<128x128xf32, #tpu.memory_space<hbm>>) dst(%dma_wait3A_229 : memref<128x128xf32, #tpu.memory_space<vmem>>)
    %add3A_233 = arith.constant 6272 : i32
    %add3A_234 = arith.addi %mul3A_2, %add3A_233 : i32
    %dma_start3A_235 = arith.constant 4 : i32
    %dma_start3A_236 = arith.constant 4 : i32
    %dma_start3A_237 = arith.constant 0 : i32
    %dma_start3A_238 = arith.constant 0 : i32
    %dma_start3A_239 = tpu.memref_slice %arg6[%dma_start3A_235, %dma_start3A_237, %dma_start3A_238] : memref<5x128x128xf32, #tpu.memory_space<vmem>> -> memref<1x128x128xf32, #tpu.memory_space<vmem>>
    %dma_start3A_240 = tpu.memref_squeeze %dma_start3A_239 : memref<1x128x128xf32, #tpu.memory_space<vmem>> -> memref<128x128xf32, #tpu.memory_space<vmem>>
    %dma_start3A_241 = arith.constant 0 : i32
    %dma_start3A_242 = tpu.memref_slice %arg4[%add3A_234, %dma_start3A_241] : memref<204800x128xf32, #tpu.memory_space<hbm>> -> memref<128x128xf32, #tpu.memory_space<hbm>>
    %dma_start3A_243 = tpu.memref_slice %arg8[%dma_start3A_236] : memref<5x!tpu.dma_semaphore, #tpu.memory_space<semaphore_mem>> -> memref<1x!tpu.dma_semaphore, #tpu.memory_space<semaphore_mem>>
    %dma_start3A_244 = tpu.memref_squeeze %dma_start3A_243 : memref<1x!tpu.dma_semaphore, #tpu.memory_space<semaphore_mem>> -> memref<!tpu.dma_semaphore, #tpu.memory_space<semaphore_mem>>
    %dma_start3A_245 = arith.constant 0 : i32
    %dma_start3A_246 = tpu.memref_slice %arg4[%add3A_234, %dma_start3A_245] : memref<204800x128xf32, #tpu.memory_space<hbm>> -> memref<128x128xf32, #tpu.memory_space<hbm>>
    %dma_start3A_247 = arith.constant 0 : i32
    %dma_start3A_248 = arith.constant 0 : i32
    %dma_start3A_249 = tpu.memref_slice %arg6[%dma_start3A_235, %dma_start3A_247, %dma_start3A_248] : memref<5x128x128xf32, #tpu.memory_space<vmem>> -> memref<1x128x128xf32, #tpu.memory_space<vmem>>
    %dma_start3A_250 = tpu.memref_squeeze %dma_start3A_249 : memref<1x128x128xf32, #tpu.memory_space<vmem>> -> memref<128x128xf32, #tpu.memory_space<vmem>>
    tpu.enqueue_dma source(%dma_start3A_250 : memref<128x128xf32, #tpu.memory_space<vmem>>) target(%dma_start3A_246 : memref<128x128xf32, #tpu.memory_space<hbm>>) target_semaphore(%dma_start3A_244 : memref<!tpu.dma_semaphore, #tpu.memory_space<semaphore_mem>>)
    %dma_wait3A_251 = arith.constant 0 : i32
    %dma_wait3A_252 = arith.constant 0 : i32
    %dma_wait3A_253 = arith.constant 0 : i32
    %dma_wait3A_254 = arith.constant 0 : i32
    %dma_wait3A_255 = tpu.memref_slice %arg6[%dma_wait3A_251, %dma_wait3A_253, %dma_wait3A_254] : memref<5x128x128xf32, #tpu.memory_space<vmem>> -> memref<1x128x128xf32, #tpu.memory_space<vmem>>
    %dma_wait3A_256 = tpu.memref_squeeze %dma_wait3A_255 : memref<1x128x128xf32, #tpu.memory_space<vmem>> -> memref<128x128xf32, #tpu.memory_space<vmem>>
    %dma_wait3A_257 = arith.constant 0 : i32
    %dma_wait3A_258 = tpu.memref_slice %arg4[%mul3A_2, %dma_wait3A_257] : memref<204800x128xf32, #tpu.memory_space<hbm>> -> memref<128x128xf32, #tpu.memory_space<hbm>>
    %dma_wait3A_259 = tpu.memref_slice %arg8[%dma_wait3A_252] : memref<5x!tpu.dma_semaphore, #tpu.memory_space<semaphore_mem>> -> memref<1x!tpu.dma_semaphore, #tpu.memory_space<semaphore_mem>>
    %dma_wait3A_260 = tpu.memref_squeeze %dma_wait3A_259 : memref<1x!tpu.dma_semaphore, #tpu.memory_space<semaphore_mem>> -> memref<!tpu.dma_semaphore, #tpu.memory_space<semaphore_mem>>
    %dma_wait3A_261 = arith.constant 0 : i32
    %dma_wait3A_262 = tpu.memref_slice %arg4[%mul3A_2, %dma_wait3A_261] : memref<204800x128xf32, #tpu.memory_space<hbm>> -> memref<128x128xf32, #tpu.memory_space<hbm>>
    %dma_wait3A_263 = arith.constant 0 : i32
    %dma_wait3A_264 = arith.constant 0 : i32
    %dma_wait3A_265 = tpu.memref_slice %arg6[%dma_wait3A_251, %dma_wait3A_263, %dma_wait3A_264] : memref<5x128x128xf32, #tpu.memory_space<vmem>> -> memref<1x128x128xf32, #tpu.memory_space<vmem>>
    %dma_wait3A_266 = tpu.memref_squeeze %dma_wait3A_265 : memref<1x128x128xf32, #tpu.memory_space<vmem>> -> memref<128x128xf32, #tpu.memory_space<vmem>>
    tpu.wait_dma2 semaphore(%dma_wait3A_260 : memref<!tpu.dma_semaphore, #tpu.memory_space<semaphore_mem>>) src(%dma_wait3A_266 : memref<128x128xf32, #tpu.memory_space<vmem>>) dst(%dma_wait3A_262 : memref<128x128xf32, #tpu.memory_space<hbm>>)
    %dma_wait3A_267 = arith.constant 1 : i32
    %dma_wait3A_268 = arith.constant 1 : i32
    %dma_wait3A_269 = arith.constant 0 : i32
    %dma_wait3A_270 = arith.constant 0 : i32
    %dma_wait3A_271 = tpu.memref_slice %arg6[%dma_wait3A_267, %dma_wait3A_269, %dma_wait3A_270] : memref<5x128x128xf32, #tpu.memory_space<vmem>> -> memref<1x128x128xf32, #tpu.memory_space<vmem>>
    %dma_wait3A_272 = tpu.memref_squeeze %dma_wait3A_271 : memref<1x128x128xf32, #tpu.memory_space<vmem>> -> memref<128x128xf32, #tpu.memory_space<vmem>>
    %dma_wait3A_273 = arith.constant 0 : i32
    %dma_wait3A_274 = tpu.memref_slice %arg4[%mul3A_2, %dma_wait3A_273] : memref<204800x128xf32, #tpu.memory_space<hbm>> -> memref<128x128xf32, #tpu.memory_space<hbm>>
    %dma_wait3A_275 = tpu.memref_slice %arg8[%dma_wait3A_268] : memref<5x!tpu.dma_semaphore, #tpu.memory_space<semaphore_mem>> -> memref<1x!tpu.dma_semaphore, #tpu.memory_space<semaphore_mem>>
    %dma_wait3A_276 = tpu.memref_squeeze %dma_wait3A_275 : memref<1x!tpu.dma_semaphore, #tpu.memory_space<semaphore_mem>> -> memref<!tpu.dma_semaphore, #tpu.memory_space<semaphore_mem>>
    %dma_wait3A_277 = arith.constant 0 : i32
    %dma_wait3A_278 = tpu.memref_slice %arg4[%mul3A_2, %dma_wait3A_277] : memref<204800x128xf32, #tpu.memory_space<hbm>> -> memref<128x128xf32, #tpu.memory_space<hbm>>
    %dma_wait3A_279 = arith.constant 0 : i32
    %dma_wait3A_280 = arith.constant 0 : i32
    %dma_wait3A_281 = tpu.memref_slice %arg6[%dma_wait3A_267, %dma_wait3A_279, %dma_wait3A_280] : memref<5x128x128xf32, #tpu.memory_space<vmem>> -> memref<1x128x128xf32, #tpu.memory_space<vmem>>
    %dma_wait3A_282 = tpu.memref_squeeze %dma_wait3A_281 : memref<1x128x128xf32, #tpu.memory_space<vmem>> -> memref<128x128xf32, #tpu.memory_space<vmem>>
    tpu.wait_dma2 semaphore(%dma_wait3A_276 : memref<!tpu.dma_semaphore, #tpu.memory_space<semaphore_mem>>) src(%dma_wait3A_282 : memref<128x128xf32, #tpu.memory_space<vmem>>) dst(%dma_wait3A_278 : memref<128x128xf32, #tpu.memory_space<hbm>>)
    %dma_wait3A_283 = arith.constant 2 : i32
    %dma_wait3A_284 = arith.constant 2 : i32
    %dma_wait3A_285 = arith.constant 0 : i32
    %dma_wait3A_286 = arith.constant 0 : i32
    %dma_wait3A_287 = tpu.memref_slice %arg6[%dma_wait3A_283, %dma_wait3A_285, %dma_wait3A_286] : memref<5x128x128xf32, #tpu.memory_space<vmem>> -> memref<1x128x128xf32, #tpu.memory_space<vmem>>
    %dma_wait3A_288 = tpu.memref_squeeze %dma_wait3A_287 : memref<1x128x128xf32, #tpu.memory_space<vmem>> -> memref<128x128xf32, #tpu.memory_space<vmem>>
    %dma_wait3A_289 = arith.constant 0 : i32
    %dma_wait3A_290 = tpu.memref_slice %arg4[%mul3A_2, %dma_wait3A_289] : memref<204800x128xf32, #tpu.memory_space<hbm>> -> memref<128x128xf32, #tpu.memory_space<hbm>>
    %dma_wait3A_291 = tpu.memref_slice %arg8[%dma_wait3A_284] : memref<5x!tpu.dma_semaphore, #tpu.memory_space<semaphore_mem>> -> memref<1x!tpu.dma_semaphore, #tpu.memory_space<semaphore_mem>>
    %dma_wait3A_292 = tpu.memref_squeeze %dma_wait3A_291 : memref<1x!tpu.dma_semaphore, #tpu.memory_space<semaphore_mem>> -> memref<!tpu.dma_semaphore, #tpu.memory_space<semaphore_mem>>
    %dma_wait3A_293 = arith.constant 0 : i32
    %dma_wait3A_294 = tpu.memref_slice %arg4[%mul3A_2, %dma_wait3A_293] : memref<204800x128xf32, #tpu.memory_space<hbm>> -> memref<128x128xf32, #tpu.memory_space<hbm>>
    %dma_wait3A_295 = arith.constant 0 : i32
    %dma_wait3A_296 = arith.constant 0 : i32
    %dma_wait3A_297 = tpu.memref_slice %arg6[%dma_wait3A_283, %dma_wait3A_295, %dma_wait3A_296] : memref<5x128x128xf32, #tpu.memory_space<vmem>> -> memref<1x128x128xf32, #tpu.memory_space<vmem>>
    %dma_wait3A_298 = tpu.memref_squeeze %dma_wait3A_297 : memref<1x128x128xf32, #tpu.memory_space<vmem>> -> memref<128x128xf32, #tpu.memory_space<vmem>>
    tpu.wait_dma2 semaphore(%dma_wait3A_292 : memref<!tpu.dma_semaphore, #tpu.memory_space<semaphore_mem>>) src(%dma_wait3A_298 : memref<128x128xf32, #tpu.memory_space<vmem>>) dst(%dma_wait3A_294 : memref<128x128xf32, #tpu.memory_space<hbm>>)
    %dma_wait3A_299 = arith.constant 3 : i32
    %dma_wait3A_300 = arith.constant 3 : i32
    %dma_wait3A_301 = arith.constant 0 : i32
    %dma_wait3A_302 = arith.constant 0 : i32
    %dma_wait3A_303 = tpu.memref_slice %arg6[%dma_wait3A_299, %dma_wait3A_301, %dma_wait3A_302] : memref<5x128x128xf32, #tpu.memory_space<vmem>> -> memref<1x128x128xf32, #tpu.memory_space<vmem>>
    %dma_wait3A_304 = tpu.memref_squeeze %dma_wait3A_303 : memref<1x128x128xf32, #tpu.memory_space<vmem>> -> memref<128x128xf32, #tpu.memory_space<vmem>>
    %dma_wait3A_305 = arith.constant 0 : i32
    %dma_wait3A_306 = tpu.memref_slice %arg4[%mul3A_2, %dma_wait3A_305] : memref<204800x128xf32, #tpu.memory_space<hbm>> -> memref<128x128xf32, #tpu.memory_space<hbm>>
    %dma_wait3A_307 = tpu.memref_slice %arg8[%dma_wait3A_300] : memref<5x!tpu.dma_semaphore, #tpu.memory_space<semaphore_mem>> -> memref<1x!tpu.dma_semaphore, #tpu.memory_space<semaphore_mem>>
    %dma_wait3A_308 = tpu.memref_squeeze %dma_wait3A_307 : memref<1x!tpu.dma_semaphore, #tpu.memory_space<semaphore_mem>> -> memref<!tpu.dma_semaphore, #tpu.memory_space<semaphore_mem>>
    %dma_wait3A_309 = arith.constant 0 : i32
    %dma_wait3A_310 = tpu.memref_slice %arg4[%mul3A_2, %dma_wait3A_309] : memref<204800x128xf32, #tpu.memory_space<hbm>> -> memref<128x128xf32, #tpu.memory_space<hbm>>
    %dma_wait3A_311 = arith.constant 0 : i32
    %dma_wait3A_312 = arith.constant 0 : i32
    %dma_wait3A_313 = tpu.memref_slice %arg6[%dma_wait3A_299, %dma_wait3A_311, %dma_wait3A_312] : memref<5x128x128xf32, #tpu.memory_space<vmem>> -> memref<1x128x128xf32, #tpu.memory_space<vmem>>
    %dma_wait3A_314 = tpu.memref_squeeze %dma_wait3A_313 : memref<1x128x128xf32, #tpu.memory_space<vmem>> -> memref<128x128xf32, #tpu.memory_space<vmem>>
    tpu.wait_dma2 semaphore(%dma_wait3A_308 : memref<!tpu.dma_semaphore, #tpu.memory_space<semaphore_mem>>) src(%dma_wait3A_314 : memref<128x128xf32, #tpu.memory_space<vmem>>) dst(%dma_wait3A_310 : memref<128x128xf32, #tpu.memory_space<hbm>>)
    %dma_wait3A_315 = arith.constant 4 : i32
    %dma_wait3A_316 = arith.constant 4 : i32
    %dma_wait3A_317 = arith.constant 0 : i32
    %dma_wait3A_318 = arith.constant 0 : i32
    %dma_wait3A_319 = tpu.memref_slice %arg6[%dma_wait3A_315, %dma_wait3A_317, %dma_wait3A_318] : memref<5x128x128xf32, #tpu.memory_space<vmem>> -> memref<1x128x128xf32, #tpu.memory_space<vmem>>
    %dma_wait3A_320 = tpu.memref_squeeze %dma_wait3A_319 : memref<1x128x128xf32, #tpu.memory_space<vmem>> -> memref<128x128xf32, #tpu.memory_space<vmem>>
    %dma_wait3A_321 = arith.constant 0 : i32
    %dma_wait3A_322 = tpu.memref_slice %arg4[%mul3A_2, %dma_wait3A_321] : memref<204800x128xf32, #tpu.memory_space<hbm>> -> memref<128x128xf32, #tpu.memory_space<hbm>>
    %dma_wait3A_323 = tpu.memref_slice %arg8[%dma_wait3A_316] : memref<5x!tpu.dma_semaphore, #tpu.memory_space<semaphore_mem>> -> memref<1x!tpu.dma_semaphore, #tpu.memory_space<semaphore_mem>>
    %dma_wait3A_324 = tpu.memref_squeeze %dma_wait3A_323 : memref<1x!tpu.dma_semaphore, #tpu.memory_space<semaphore_mem>> -> memref<!tpu.dma_semaphore, #tpu.memory_space<semaphore_mem>>
    %dma_wait3A_325 = arith.constant 0 : i32
    %dma_wait3A_326 = tpu.memref_slice %arg4[%mul3A_2, %dma_wait3A_325] : memref<204800x128xf32, #tpu.memory_space<hbm>> -> memref<128x128xf32, #tpu.memory_space<hbm>>
    %dma_wait3A_327 = arith.constant 0 : i32
    %dma_wait3A_328 = arith.constant 0 : i32
    %dma_wait3A_329 = tpu.memref_slice %arg6[%dma_wait3A_315, %dma_wait3A_327, %dma_wait3A_328] : memref<5x128x128xf32, #tpu.memory_space<vmem>> -> memref<1x128x128xf32, #tpu.memory_space<vmem>>
    %dma_wait3A_330 = tpu.memref_squeeze %dma_wait3A_329 : memref<1x128x128xf32, #tpu.memory_space<vmem>> -> memref<128x128xf32, #tpu.memory_space<vmem>>
    tpu.wait_dma2 semaphore(%dma_wait3A_324 : memref<!tpu.dma_semaphore, #tpu.memory_space<semaphore_mem>>) src(%dma_wait3A_330 : memref<128x128xf32, #tpu.memory_space<vmem>>) dst(%dma_wait3A_326 : memref<128x128xf32, #tpu.memory_space<hbm>>)
    return
  }
}

</mosaic_0001>

<sc_bundles>
// kernel: _emb.3.cloned.1.call-start
scs
__scs_entry_jumppad:
0x0: {  	(pc) =	sbr.rel $0x88, $3  }
0x1: {  	(tag) =	ssettag $0x0;
	lr =	simm.s32 $0x1  }
0x2: {  	[smem:$0x3F9F] =	sst lr;
	_ =	strace $0xD0000000  }
0x3: {  	_ = 	snop  }
0x4: {  	_ = 	snop  }
0x5: {  	_ = 	snop  }
0x6: {  	_ = 	snop  }
0x7: {  	_ = 	snop  }
__scs_overlays_trampoline_lowered:
0x8: {  	[smem:$0x3FAE] =	sst s0  }
0x9: {  	[smem:$0x3FAF] =	sst s1  }
0xa: {  	[smem:$0x3FB0] =	sst s2  }
0xb: {  	[smem:$0x3FB1] =	sst s3  }
0xc: {  	[smem:$0x3FB2] =	sst s4  }
0xd: {  	[smem:$0x3FB3] =	sst s5  }
0xe: {  	[smem:$0x3FB4] =	sst s6  }
0xf: {  	[smem:$0x3FB5] =	sst s7  }
0x10: {  	[smem:$0x3FB6] =	sst s8  }
0x11: {  	[smem:$0x3FB7] =	sst s9;
	s0 =	simm.s32 @!p0 $0x0  }
0x12: {  	s1 =	sld [smem:$0x3F9D];
	s0 =	simm.s32 @p0 $0x1  }
0x13: {  	[smem:$0x3FB8] =	sst s0;
	s0 =	simm.s32 @!p1 $0x0  }
0x14: {  	s2 =	sld [smem:$0x3F9C];
	s0 =	simm.s32 @p1 $0x1  }
0x15: {  	[smem:$0x3FB9] =	sst s0;
	s0 =	simm.s32 @!p2 $0x0  }
0x16: {  	s3 =	sld [smem:$0x3FDB];
	s0 =	simm.s32 @p2 $0x1  }
0x17: {  	s4 =	simm.s32 $0x1BF5;
	[smem:$0x3FBB] =	sst s0  }
0x18: {  	s0 =	sld [smem:$0x3F9E];
	_ =	swait.ge [sflag:s4], $0x0  }
0x19: {  	s7 =	sld [smem:$0x3F9F]  }
0x1a: {  	s8 =	sadd.s32 $0xFFFFE003, lr  }
0x1b: {  	s9 =	sadd.s32 $0xFFFFFEF7, lr;
	s5 =	simm.s32 $0xFFFFFFFF;
	p2 =	slt.u32 s8, $0xFFFFF086  }
0x1c: {  	p1 =	slt.u32 s9, $0xF7A;
	s5 =	simm.s32 @!p2 $0x0  }
0x1d: {  	s5 =	simm.s32 @p1 $0x1;
	p0 =	seq.s32 s7, s2  }
0x1e: {  	s7 =	smul.u32 @!p0 $0xF7A, s2;
	p2 =	seq.s32 @!p0 s5, $0x0  }
0x1f: {  	s9 =	smul.u32 $0xF7A, s1;
	s8 =	simm.s32 @!p0 $0x1BF5;
	p2 =	por !p2, p0  }
0x20: {  	[sflag:s8] =	ssyncset.s32 @!p0 $0xFFFFF086;
	s6 =	sadd.s32 @!p0 s3, s7;
	s7 =	simm.s32 @!p0 $0x108  }
0x21: {  	s3 =	sadd.s32 s3, s9;
	s6 =	sadd.s32 @!p0 $0x88, s6;
	s7 =	simm.s32 @p2 $0x1082  }
0x22: {  	[simem:s7], [sflag:s8] =	dma.local @!p0 [hbm:s6], $0xF7A  }
0x23: {  	s9 =	sor.u32 $0xD0000000, s2;
	s6 =	simm.s32 $0x108;
	_ =	swait.ge @!p0 [sflag:s8], $0x0  }
0x24: {  	s3 =	sadd.s32 $0x88, s3;
	s6 =	simm.s32 @!p1 $0x1082;
	[sflag:s4] =	ssyncset.s32 $0xFFFFF086  }
0x25: {  	[simem:s6], [sflag:s4] =	dma.local [hbm:s3], $0xF7A  }
0x26: {  	[smem:$0x3F9F] =	sst s1;
	(tag) =	ssettag s2;
	_ =	strace s9  }
0x27: {  	s1 =	sld [smem:$0x3FAF]  }
0x28: {  	s2 =	sld [smem:$0x3FB0]  }
0x29: {  	s4 =	sld [smem:$0x3FB2]  }
0x2a: {  	p0 =	seq.s32 s5, $0x0;
	s5 =	sld [smem:$0x3FB3]  }
0x2b: {  	s6 =	sld [smem:$0x3FB4]  }
0x2c: {  	s7 =	sld [smem:$0x3FB5]  }
0x2d: {  	s3 =	simm.s32 $0x108;
	s8 =	sld [smem:$0x3FB6]  }
0x2e: {  	s3 =	simm.s32 @!p0 $0x1082;
	s9 =	sld [smem:$0x3FB7]  }
0x2f: {  	lr =	sadd.s32 s0, s3;
	s0 =	sld [smem:$0x3FAE]  }
0x30: {  	s3 =	sld [smem:$0x3FB1]  }
0x31: {  	[smem:$0x3FBA] =	sst s10  }
0x32: {  	s10 =	sld [smem:$0x3FB8];
	_ =	sdelay $0x3  }
0x33: {  	p0 =	seq.s32 s10, $0x1;
	s10 =	sld [smem:$0x3FBA];
	_ =	sdelay $0x3  }
0x34: {  	[smem:$0x3FBA] =	sst s10  }
0x35: {  	s10 =	sld [smem:$0x3FB9];
	_ =	sdelay $0x3  }
0x36: {  	p1 =	seq.s32 s10, $0x1;
	s10 =	sld [smem:$0x3FBA];
	_ =	sdelay $0x3  }
0x37: {  	[smem:$0x3FBA] =	sst s10  }
0x38: {  	s10 =	sld [smem:$0x3FBB]  }
0x39: {  	_ = 	snop;
	(pc) =	sbr.ind lr, $3  }
0x3a: {  	_ = 	snop  }
0x3b: {  	_ = 	snop  }
0x3c: {  	p2 =	seq.s32 s10, $0x1;
	s10 =	sld [smem:$0x3FBA]  }
0x3d: {  	_ =	shalt  }
0x3e: {  	_ =	shalt  }
0x3f: {  	_ =	shalt  }
0x40: {  	_ =	shalt  }
0x41: {  	_ =	shalt  }
0x42: {  	_ =	shalt  }
0x43: {  	_ =	shalt  }
0x44: {  	_ =	shalt  }
0x45: {  	_ =	shalt  }
0x46: {  	_ =	shalt  }
0x47: {  	_ =	shalt  }
0x48: {  	_ =	shalt  }
0x49: {  	_ =	shalt  }
0x4a: {  	_ =	shalt  }
0x4b: {  	_ =	shalt  }
0x4c: {  	_ =	shalt  }
0x4d: {  	_ =	shalt  }
0x4e: {  	_ =	shalt  }
0x4f: {  	_ =	shalt  }
0x50: {  	_ =	shalt  }
0x51: {  	_ =	shalt  }
0x52: {  	_ =	shalt  }
0x53: {  	_ =	shalt  }
0x54: {  	_ =	shalt  }
0x55: {  	_ =	shalt  }
0x56: {  	_ =	shalt  }
0x57: {  	_ =	shalt  }
0x58: {  	_ =	shalt  }
0x59: {  	_ =	shalt  }
0x5a: {  	_ =	shalt  }
0x5b: {  	_ =	shalt  }
0x5c: {  	_ =	shalt  }
0x5d: {  	_ =	shalt  }
0x5e: {  	_ =	shalt  }
0x5f: {  	_ =	shalt  }
0x60: {  	_ =	shalt  }
0x61: {  	_ =	shalt  }
0x62: {  	_ =	shalt  }
0x63: {  	_ =	shalt  }
0x64: {  	_ =	shalt  }
0x65: {  	_ =	shalt  }
0x66: {  	_ =	shalt  }
0x67: {  	_ =	shalt  }
0x68: {  	_ =	shalt  }
0x69: {  	_ =	shalt  }
0x6a: {  	_ =	shalt  }
0x6b: {  	_ =	shalt  }
0x6c: {  	_ =	shalt  }
0x6d: {  	_ =	shalt  }
0x6e: {  	_ =	shalt  }
0x6f: {  	_ =	shalt  }
0x70: {  	_ =	shalt  }
0x71: {  	_ =	shalt  }
0x72: {  	_ =	shalt  }
0x73: {  	_ =	shalt  }
0x74: {  	_ =	shalt  }
0x75: {  	_ =	shalt  }
0x76: {  	_ =	shalt  }
0x77: {  	_ =	shalt  }
0x78: {  	_ =	shalt  }
0x79: {  	_ =	shalt  }
0x7a: {  	_ =	shalt  }
0x7b: {  	_ =	shalt  }
0x7c: {  	_ =	shalt  }
0x7d: {  	_ =	shalt  }
0x7e: {  	_ =	shalt  }
0x7f: {  	_ =	shalt  }
0x80: {  	_ =	shalt  }
0x81: {  	_ =	shalt  }
0x82: {  	_ =	shalt  }
0x83: {  	_ =	shalt  }
0x84: {  	_ =	shalt  }
0x85: {  	_ =	shalt  }
0x86: {  	_ =	shalt  }
0x87: {  	_ =	shalt  }
.Lfunc_end0:
.L_simem_size_0:
called_computation_lowered:
.L_overlay_start_0:
0x88: {  	s2 =	sld [smem:$0x3FD9]  }
0x89: {  	s3 =	sld [smem:$0x3FFE];
	_ =	sdelay $0x1  }
0x8a: {  	s1 =	srdreg.scid  }
0x8b: {  	s0 =	sand.u32 $0x1, s1  }
0x8c: {  	s18 =	sshll.u32 s0, $0xA;
	s2 =	sadd.s32 s3, s2  }
0x8d: {  	s2 =	sadd.s32 s2, s18  }
0x8e: {  	[smem:$0x3FC6] =	sst s2  }
0x8f: {  	_ = 	snop  }
0x90: {  	s2 =	sld [smem:$0x3FC9]  }
0x91: {  	s19 =	sld [smem:$0x3FC8]  }
0x92: {  	s4 =	sld [smem:$0x3FD0];
	(tm) =	ssettm $0x1  }
0x93: {  	s5 =	sld [smem:$0x3FFB];
	_ =	sdelay $0x3  }
0x94: {  	_ =	strace s5  }
0x95: {  	s5 =	sld [smem:$0x3FFC];
	_ =	sdelay $0x3  }
0x96: {  	_ =	strace s5  }
0x97: {  	s5 =	sld [smem:$0x3FFD];
	_ =	sdelay $0x3  }
0x98: {  	_ =	strace s5  }
0x99: {  	_ =	strace $0x8FFFFFFF  }
0x9a: {  	s20 =	sld [smem:$0x3FDB];
	_ =	sdelay $0x1  }
0x9b: {  	s6 =	simm.s32 $_scs_section_size  }
0x9c: {  	s7 =	simm.s32 $_size__tile_overlayer_lowered;
	s8 =	simm.s32 $_tile_overlayer_lowered  }
0x9d: {  	s23 =	simm.s32 $0x1BFF;
	s22 =	sshll.u32 s8, $0x1;
	s5 =	sadd.s32 s6, s20  }
0x9e: {  	s9 =	simm.s32 $0x0;
	s21 =	sshll.u32 s7, $0x1;
	s7 =	sadd.s32 s22, s5  }
0x9f: {  	[timem:s9], [sflag:s23] =	dma.local [hbm:s7], s21  }
0xa0: {  	_ =	swait.ge [sflag:s23], s21  }
0xa1: {  	s6 =	ssub.s32 $0x0, s21;
	[sflag:s23] =	ssyncset.done $0x0  }
0xa2: {  	[sflag:s23] =	ssyncadd.s32 s6;
	_ =	sdelay $0x1  }
0xa3: {  	s24 =	simm.s32 $0x1B8B  }
0xa4: {  	_ =	swait.ge [sflag:s24], $0x1  }
0xa5: {  	[sflag:s24] =	ssyncset.done $0x0  }
0xa6: {  	s25 =	simm.s32 $0x1B8E;
	[sflag:s24] =	ssyncadd.s32 $0xFFFFFFFF  }
0xa7: {  	s26 =	simm.s32 $execute0_lowered;
	[smem:$0x3FD2] =	sst s25  }
0xa8: {  	s6 =	sshll.u32 s26, $0x1;
	_ =	strace $0x80000046;
	[dreg:$0x1] =	wrdreg $0xFFFFFFFF  }
0xa9: {  	s28 =	simm.s32 $_size_execute0_lowered;
	s5 =	sadd.s32 s5, s6;
	[dreg:$0x0] =	wrdreg $0x0  }
0xaa: {  	s6 =	sshll.u32 s28, $0x1;
	[dreg:$0x2] =	wrdreg s5  }
0xab: {  	[dreg:$0x3] =	wrdreg s6  }
0xac: {  	[dreg:$0x4] =	wrdreg $0xC0  }
0xad: {  	_ =	task [dreg:s9], $0x5FFFF  }
0xae: {  	[dreg:$0x1] =	wrdreg $0xFFFFFFFF  }
0xaf: {  	[dreg:$0x0] =	wrdreg $0x60  }
0xb0: {  	[dreg:$0x2] =	wrdreg s2  }
0xb1: {  	[dreg:$0x3] =	wrdreg s19  }
0xb2: {  	[dreg:$0x4] =	wrdreg s4  }
0xb3: {  	[dreg:$0x5] =	wrdreg $0x9  }
0xb4: {  	_ =	task.clear_ibuf [dreg:s9], $0x6FFFF;
	_ =	strace $0x90000046  }
0xb5: {  	s29 =	simm.s32 $0x9;
	_ =	strace $0x80000048  }
0xb6: {  	_ =	swait.ge [sflag:s29], $0x1  }
0xb7: {  	[sflag:s29] =	ssyncadd.s32 $0xFFFFFFFF  }
0xb8: {  	_ =	strace $0x90000048  }
0xb9: {  	_ =	sfence  }
0xba: {  	s30 =	sld [smem:$0x0];
	_ =	sdelay $0x2  }
0xbb: {  	s31 =	sshll.u32 s1, $0xD;
	s1 =	sshrl.u32 s1, $0x2  }
0xbc: {  	s3 =	sand.u32 $0x4000, s31;
	s1 =	sadd.s32 s1, s30  }
0xbd: {  	s0 =	sor.u32 s3, s0;
	s1 =	sshll.u32 s1, $0x11  }
0xbe: {  	s0 =	sor.u32 s1, s0  }
0xbf: {  	s0 =	sadd.s32 $0x8F2B, s0  }
0xc0: {  	[sflag:s0] =	ssyncadd.remote.s32 $0x1  }
0xc1: {  	_ =	sfence.sel $0xFFFF  }
0xc2: {  	[dreg:$0x0] =	wrdreg $0xFFFFFFFF;
	(pc) =	sbr.abs _section_cstart, $3  }
0xc3: {  	[dreg:$0x1] =	wrdreg $0xFFFFFFFF  }
0xc4: {  	_ =	task.clear_ibuf [dreg:s9], $0x2FFFF;
	_ =	strace $0x9FFFFFFF  }
0xc5: {  	(tm) =	ssettm $0x7FFFFFFF  }
tec
execute0_lowered:
.L_overlay_start_1:
0x0: {  	(tag) =	ssettag $0x1  }
0x1: {  	s0 =	rddreg [dreg:$0x0]  }
0x2: {  	s2 =	rddreg [dreg:$0x1];
	s1 =	srdreg.scid  }
0x3: {  	s9 =	stileid.u32;
	s7 =	rddreg [dreg:$0x2]  }
0x4: {  	s12 =	simm.s32 $0xB;
	s13 =	simm.s32 $0x80;
	s14 =	simm.s32 $0x1900  }
0x5: {  	s15 =	simm.s32 $0x5900;
	s17 =	simm.s32 $0x9900;
	s19 =	simm.s32 $0xD900  }
0x6: {  	s21 =	simm.s32 $0x11900;
	s22 =	simm.s32 $0x1;
	s28 =	simm.s32 $0x6  }
0x7: {  	s29 =	simm.s32 $0x7;
	s1 =	sand.u32 $0x1, s1;
	s3 =	sshll.u32 s9, $0x1  }
0x8: {  	s30 =	simm.s32 $0x8;
	s25 =	smul.u32 $0x32000, s9;
	s4 =	sor.u32 s1, s3  }
0x9: {  	s3 =	simm.s32 $0x0;
	s5 =	ssub.s32 $0x2, s1;
	s1 =	smul.u32 $0x19000, s1  }
0xa: {  	s31 =	simm.s32 $0x9;
	s6 =	smul.u32 $0x1900, s4;
	[smem:$0x7FF] =	sst s3  }
0xb: {  	s8 =	sshrl.u32 s5, $0x1;
	s4 =	smul.u32 $0xC8000, s4;
	s9 =	sadd.s32 s25, s7  }
0xc: {  	s25 =	simm.s32 $0x4;
	_ =	strace $0x80000047;
	s10 =	ssub.s32 s5, s8  }
0xd: {  	s1 =	sadd.s32 s1, s9;
	s23 =	sshrl.u32 s6, $0x3;
	s24 =	sshrl.u32 s4, $0x3  }
0xe: {  	s10 =	smax.u32 s10, $0x1;
	s11 =	sadd.s32 $0x2000, s1;
	s1 =	simm.s32 $0xA  }
0xf: {  	s0 =	sadd.s32 s0, s23;
	s26 =	sadd.s32 s7, s24;
	s23 =	simm.s32 $0x2  }
0x10: {  	s24 =	simm.s32 $0x3;
	[dreg:$0x4] =	wrdreg s0;
	s5 =	sadd.s32 $0x16800, s26  }
0x11: {  	s6 =	sadd.s32 $0x17000, s26;
	s7 =	sadd.s32 $0x17800, s26;
	s8 =	sadd.s32 $0x18000, s26  }
0x12: {  	s9 =	sadd.s32 $0x18800, s26;
	s26 =	simm.s32 $0x5;
	s0 =	simm.s32 $0x0  }
.LBB2_1:
0x13: {  	s4 =	rddreg [dreg:$0x4]  }
0x14: {  	[tilespmem:s3], [sflag:$0xB] =	stream.linear.gather [hbm4b:s4+s3], $0x1900, $0x38;
	[tilespmem:$0x15900] =	vst v63  }
0x15: {  	_ =	swait.ge [sflag:s12], $0x1900  }
0x16: {  	[sflag:s12] =	ssyncset.done $0x0  }
0x17: {  	[sflag:s12] =	ssyncadd.s32 $0xFFFFE700  }
0x18: {  	[tilespmem:s14], [sflag:$0x1] =	stream.indirect.gather [hbm4b:s2+s13], $0x80, s3, s13, $0xb8;
	[tilespmem:$0x15900] =	vst v63  }
0x19: {  	_ = 	snop  }
0x1a: {  	[tilespmem:s15], [sflag:$0x2] =	stream.indirect.gather [hbm4b:s2+s13], $0x80, s13, s13, $0xb8;
	[tilespmem:$0x15900] =	vst v63  }
0x1b: {  	s20 =	simm.s32 $0x100  }
0x1c: {  	[tilespmem:s17], [sflag:$0x3] =	stream.indirect.gather [hbm4b:s2+s13], $0x80, s20, s13, $0xb8;
	[tilespmem:$0x15900] =	vst v63  }
0x1d: {  	s16 =	simm.s32 $0x180  }
0x1e: {  	[tilespmem:s19], [sflag:$0x4] =	stream.indirect.gather [hbm4b:s2+s13], $0x80, s16, s13, $0xb8;
	[tilespmem:$0x15900] =	vst v63  }
0x1f: {  	s18 =	simm.s32 $0x200  }
0x20: {  	[tilespmem:s21], [sflag:$0x5] =	stream.indirect.gather [hbm4b:s2+s13], $0x80, s18, s13, $0xb8;
	[tilespmem:$0x15900] =	vst v63  }
0x21: {  	_ =	swait.ge [sflag:s22], $0x4000  }
0x22: {  	[sflag:s22] =	ssyncset.done $0x0  }
0x23: {  	s16 =	sadd.s32 $0xFFFFE000, s11;
	[sflag:s22] =	ssyncadd.s32 $0xFFFFC000  }
0x24: {  	[hbm4b:s16+s3] =	stream.linear.scatter [tilespmem:s14], [sflag:$0x6], $0x4000, $0x38;
	[tilespmem:$0x15900] =	vst v63  }
0x25: {  	_ =	swait.ge [sflag:s23], $0x4000  }
0x26: {  	[sflag:s23] =	ssyncset.done $0x0  }
0x27: {  	s20 =	sadd.s32 $0xFFFFE800, s11;
	[sflag:s23] =	ssyncadd.s32 $0xFFFFC000  }
0x28: {  	[hbm4b:s20+s3] =	stream.linear.scatter [tilespmem:s15], [sflag:$0x7], $0x4000, $0x38;
	[tilespmem:$0x15900] =	vst v63  }
0x29: {  	_ =	swait.ge [sflag:s24], $0x4000  }
0x2a: {  	[sflag:s24] =	ssyncset.done $0x0  }
0x2b: {  	s4 =	sadd.s32 $0xFFFFF000, s11;
	[sflag:s24] =	ssyncadd.s32 $0xFFFFC000  }
0x2c: {  	[hbm4b:s4+s3] =	stream.linear.scatter [tilespmem:s17], [sflag:$0x8], $0x4000, $0x38;
	[tilespmem:$0x15900] =	vst v63  }
0x2d: {  	_ =	swait.ge [sflag:s25], $0x4000  }
0x2e: {  	[sflag:s25] =	ssyncset.done $0x0  }
0x2f: {  	s18 =	sadd.s32 $0xFFFFF800, s11;
	[sflag:s25] =	ssyncadd.s32 $0xFFFFC000  }
0x30: {  	[hbm4b:s18+s3] =	stream.linear.scatter [tilespmem:s19], [sflag:$0x9], $0x4000, $0x38;
	[tilespmem:$0x15900] =	vst v63  }
0x31: {  	_ =	swait.ge [sflag:s26], $0x4000  }
0x32: {  	[sflag:s26] =	ssyncset.done $0x0  }
0x33: {  	[sflag:s26] =	ssyncadd.s32 $0xFFFFC000  }
0x34: {  	[hbm4b:s11+s3] =	stream.linear.scatter [tilespmem:s21], [sflag:$0xA], $0x4000, $0x38;
	[tilespmem:$0x15900] =	vst v63  }
0x35: {  	_ =	swait.ge [sflag:s28], $0x4000  }
0x36: {  	[sflag:s28] =	ssyncset.done $0x0  }
0x37: {  	s20 =	simm.s32 $0x280;
	[sflag:s28] =	ssyncadd.s32 $0xFFFFC000  }
0x38: {  	[tilespmem:s14], [sflag:$0x1] =	stream.indirect.gather [hbm4b:s2+s13], $0x80, s20, s13, $0xb8;
	[tilespmem:$0x15900] =	vst v63  }
0x39: {  	_ =	swait.ge [sflag:s29], $0x4000  }
0x3a: {  	[sflag:s29] =	ssyncset.done $0x0  }
0x3b: {  	s4 =	simm.s32 $0x300;
	[sflag:s29] =	ssyncadd.s32 $0xFFFFC000  }
0x3c: {  	[tilespmem:s15], [sflag:$0x2] =	stream.indirect.gather [hbm4b:s2+s13], $0x80, s4, s13, $0xb8;
	[tilespmem:$0x15900] =	vst v63  }
0x3d: {  	_ =	swait.ge [sflag:s30], $0x4000  }
0x3e: {  	[sflag:s30] =	ssyncset.done $0x0  }
0x3f: {  	s18 =	simm.s32 $0x380;
	[sflag:s30] =	ssyncadd.s32 $0xFFFFC000  }
0x40: {  	[tilespmem:s17], [sflag:$0x3] =	stream.indirect.gather [hbm4b:s2+s13], $0x80, s18, s13, $0xb8;
	[tilespmem:$0x15900] =	vst v63  }
0x41: {  	_ =	swait.ge [sflag:s31], $0x4000  }
0x42: {  	[sflag:s31] =	ssyncset.done $0x0  }
0x43: {  	s20 =	simm.s32 $0x400;
	[sflag:s31] =	ssyncadd.s32 $0xFFFFC000  }
0x44: {  	[tilespmem:s19], [sflag:$0x4] =	stream.indirect.gather [hbm4b:s2+s13], $0x80, s20, s13, $0xb8;
	[tilespmem:$0x15900] =	vst v63  }
0x45: {  	_ =	swait.ge [sflag:s1], $0x4000  }
0x46: {  	s16 =	simm.s32 $0xA00;
	[sflag:s1] =	ssyncset.done $0x0  }
0x47: {  	s18 =	sadd.s32 $0x2800, s11;
	s20 =	simm.s32 $0x480;
	[sflag:s1] =	ssyncadd.s32 $0xFFFFC000  }
.LBB2_2:
0x48: {  	[tilespmem:s21], [sflag:$0x5] =	stream.indirect.gather [hbm4b:s2+s13], $0x80, s20, s13, $0xb8;
	[tilespmem:$0x15900] =	vst v63  }
0x49: {  	s20 =	smov.u32 s16  }
0x4a: {  	p0 =	sne.s32 s16, $0x5000;
	s16 =	sadd.s32 $0xA00, s16;
	_ =	swait.ge [sflag:s22], $0x4000  }
0x4b: {  	[sflag:s22] =	ssyncset.done $0x0  }
0x4c: {  	s4 =	sadd.s32 $0xFFFFE000, s18;
	[sflag:s22] =	ssyncadd.s32 $0xFFFFC000  }
0x4d: {  	[hbm4b:s4+s3] =	stream.linear.scatter [tilespmem:s14], [sflag:$0x6], $0x4000, $0x38;
	[tilespmem:$0x15900] =	vst v63  }
0x4e: {  	_ =	swait.ge [sflag:s23], $0x4000  }
0x4f: {  	[sflag:s23] =	ssyncset.done $0x0  }
0x50: {  	s4 =	sadd.s32 $0xFFFFE800, s18;
	[sflag:s23] =	ssyncadd.s32 $0xFFFFC000  }
0x51: {  	[hbm4b:s4+s3] =	stream.linear.scatter [tilespmem:s15], [sflag:$0x7], $0x4000, $0x38;
	[tilespmem:$0x15900] =	vst v63  }
0x52: {  	_ =	swait.ge [sflag:s24], $0x4000  }
0x53: {  	[sflag:s24] =	ssyncset.done $0x0  }
0x54: {  	s4 =	sadd.s32 $0xFFFFF000, s18;
	[sflag:s24] =	ssyncadd.s32 $0xFFFFC000  }
0x55: {  	[hbm4b:s4+s3] =	stream.linear.scatter [tilespmem:s17], [sflag:$0x8], $0x4000, $0x38;
	[tilespmem:$0x15900] =	vst v63  }
0x56: {  	_ =	swait.ge [sflag:s25], $0x4000  }
0x57: {  	[sflag:s25] =	ssyncset.done $0x0  }
0x58: {  	s4 =	sadd.s32 $0xFFFFF800, s18;
	[sflag:s25] =	ssyncadd.s32 $0xFFFFC000  }
0x59: {  	[hbm4b:s4+s3] =	stream.linear.scatter [tilespmem:s19], [sflag:$0x9], $0x4000, $0x38;
	[tilespmem:$0x15900] =	vst v63  }
0x5a: {  	_ =	swait.ge [sflag:s26], $0x4000  }
0x5b: {  	[sflag:s26] =	ssyncset.done $0x0  }
0x5c: {  	[sflag:s26] =	ssyncadd.s32 $0xFFFFC000  }
0x5d: {  	[hbm4b:s18+s3] =	stream.linear.scatter [tilespmem:s21], [sflag:$0xA], $0x4000, $0x38;
	[tilespmem:$0x15900] =	vst v63  }
0x5e: {  	_ =	swait.ge [sflag:s28], $0x4000  }
0x5f: {  	s4 =	sshra.s32 s20, $0x2;
	[sflag:s28] =	ssyncset.done $0x0  }
0x60: {  	s20 =	sadd.s32 $0x280, s4;
	[sflag:s28] =	ssyncadd.s32 $0xFFFFC000  }
0x61: {  	[tilespmem:s14], [sflag:$0x1] =	stream.indirect.gather [hbm4b:s2+s13], $0x80, s20, s13, $0xb8;
	[tilespmem:$0x15900] =	vst v63  }
0x62: {  	_ =	swait.ge [sflag:s29], $0x4000  }
0x63: {  	[sflag:s29] =	ssyncset.done $0x0  }
0x64: {  	s20 =	sadd.s32 $0x300, s4;
	[sflag:s29] =	ssyncadd.s32 $0xFFFFC000  }
0x65: {  	[tilespmem:s15], [sflag:$0x2] =	stream.indirect.gather [hbm4b:s2+s13], $0x80, s20, s13, $0xb8;
	[tilespmem:$0x15900] =	vst v63  }
0x66: {  	_ =	swait.ge [sflag:s30], $0x4000  }
0x67: {  	[sflag:s30] =	ssyncset.done $0x0  }
0x68: {  	s20 =	sadd.s32 $0x380, s4;
	[sflag:s30] =	ssyncadd.s32 $0xFFFFC000  }
0x69: {  	[tilespmem:s17], [sflag:$0x3] =	stream.indirect.gather [hbm4b:s2+s13], $0x80, s20, s13, $0xb8;
	[tilespmem:$0x15900] =	vst v63  }
0x6a: {  	_ =	swait.ge [sflag:s31], $0x4000  }
0x6b: {  	[sflag:s31] =	ssyncset.done $0x0  }
.Ltmp0:
0x6c: {  	s20 =	sadd.s32 $0x400, s4;
	[sflag:s31] =	ssyncadd.s32 $0xFFFFC000;
	(pc) =	sbr.rel @p0 .LBB2_2-.Ltmp0, $4  }
0x6d: {  	[tilespmem:s19], [sflag:$0x4] =	stream.indirect.gather [hbm4b:s2+s13], $0x80, s20, s13, $0xb8;
	[tilespmem:$0x15900] =	vst v63  }
0x6e: {  	_ =	swait.ge [sflag:s1], $0x4000  }
0x6f: {  	[sflag:s1] =	ssyncset.done $0x0  }
0x70: {  	s18 =	sadd.s32 $0x2800, s18;
	s20 =	sadd.s32 $0x480, s4;
	[sflag:s1] =	ssyncadd.s32 $0xFFFFC000  }
0x71: {  	[tilespmem:s21], [sflag:$0x5] =	stream.indirect.gather [hbm4b:s2+s13], $0x80, s20, s13, $0xb8;
	[tilespmem:$0x15900] =	vst v63  }
0x72: {  	_ =	swait.ge [sflag:s22], $0x4000  }
0x73: {  	[sflag:s22] =	ssyncset.done $0x0  }
0x74: {  	[sflag:s22] =	ssyncadd.s32 $0xFFFFC000  }
0x75: {  	[hbm4b:s5+s3] =	stream.linear.scatter [tilespmem:s14], [sflag:$0x6], $0x4000, $0x38;
	[tilespmem:$0x15900] =	vst v63  }
0x76: {  	_ =	swait.ge [sflag:s23], $0x4000  }
0x77: {  	[sflag:s23] =	ssyncset.done $0x0  }
0x78: {  	[sflag:s23] =	ssyncadd.s32 $0xFFFFC000  }
0x79: {  	[hbm4b:s6+s3] =	stream.linear.scatter [tilespmem:s15], [sflag:$0x7], $0x4000, $0x38;
	[tilespmem:$0x15900] =	vst v63  }
0x7a: {  	_ =	swait.ge [sflag:s24], $0x4000  }
0x7b: {  	[sflag:s24] =	ssyncset.done $0x0  }
0x7c: {  	[sflag:s24] =	ssyncadd.s32 $0xFFFFC000  }
0x7d: {  	[hbm4b:s7+s3] =	stream.linear.scatter [tilespmem:s17], [sflag:$0x8], $0x4000, $0x38;
	[tilespmem:$0x15900] =	vst v63  }
0x7e: {  	_ =	swait.ge [sflag:s25], $0x4000  }
0x7f: {  	[sflag:s25] =	ssyncset.done $0x0  }
0x80: {  	[sflag:s25] =	ssyncadd.s32 $0xFFFFC000  }
0x81: {  	[hbm4b:s8+s3] =	stream.linear.scatter [tilespmem:s19], [sflag:$0x9], $0x4000, $0x38;
	[tilespmem:$0x15900] =	vst v63  }
0x82: {  	_ =	swait.ge [sflag:s26], $0x4000  }
0x83: {  	[sflag:s26] =	ssyncset.done $0x0  }
0x84: {  	[sflag:s26] =	ssyncadd.s32 $0xFFFFC000  }
0x85: {  	[hbm4b:s9+s3] =	stream.linear.scatter [tilespmem:s21], [sflag:$0xA], $0x4000, $0x38;
	[tilespmem:$0x15900] =	vst v63  }
0x86: {  	_ =	swait.ge [sflag:s28], $0x4000  }
0x87: {  	[sflag:s28] =	ssyncset.done $0x0  }
0x88: {  	[sflag:s28] =	ssyncadd.s32 $0xFFFFC000  }
0x89: {  	_ =	swait.ge [sflag:s29], $0x4000  }
0x8a: {  	[sflag:s29] =	ssyncset.done $0x0  }
0x8b: {  	[sflag:s29] =	ssyncadd.s32 $0xFFFFC000  }
0x8c: {  	_ =	swait.ge [sflag:s30], $0x4000  }
0x8d: {  	[sflag:s30] =	ssyncset.done $0x0  }
0x8e: {  	s0 =	sadd.s32 $0x1, s0;
	[sflag:s30] =	ssyncadd.s32 $0xFFFFC000  }
0x8f: {  	p0 =	sne.s32 s0, s10;
	_ =	swait.ge [sflag:s31], $0x4000  }
.Ltmp1:
0x90: {  	[sflag:s31] =	ssyncset.done $0x0;
	(pc) =	sbr.rel @p0 .LBB2_1-.Ltmp1, $4  }
0x91: {  	[sflag:s31] =	ssyncadd.s32 $0xFFFFC000  }
0x92: {  	_ =	swait.ge [sflag:s1], $0x4000  }
0x93: {  	[sflag:s1] =	ssyncset.done $0x0  }
0x94: {  	[sflag:s1] =	ssyncadd.s32 $0xFFFFC000  }
0x95: {  	_ =	sfence.sel $0x180000  }
0x96: {  	[bflag:$0x0] =	sbarrier.arrive $0xFFFF  }
0x97: {  	_ =	strace $0x90000047  }
0x98: {  	s0 =	stileid.u32;
	[bflag:$0x2] =	sbarrier.arrive $0xFFFF  }
0x99: {  	p0 =	sne.s32 s0, $0x0;
	s0 =	rddreg [dreg:$0x3]  }
0x9a: {  	s0 =	sadd.s32 @!p0 $0x100000, s0  }
0x9b: {  	[sflag:s0] =	ssyncadd.tile.s32 @!p0 $0x1;
	_ =	shalt  }
.Lfunc_end2:
_tile_overlayer_lowered:
.L_overlay_start_2:
0x9c: {  	(tag) =	ssettag $0x2  }
0x9d: {  	s0 =	rddreg [dreg:$0x0];
	s2 =	stileid.u32  }
0x9e: {  	s1 =	rddreg [dreg:$0x1];
	p0 =	sne.s32 s2, $0x0  }
0x9f: {  	s3 =	rddreg [dreg:$0x2];
	[bflag:$0x3] =	sbarrier.arrive $0xFFFF;
	s2 =	simm.s32 @!p0 $0x1C0B  }
0xa0: {  	[timem:s3], [sflag:s2] =	dma.local @!p0 [hbm:s0], s1  }
0xa1: {  	s0 =	simm.s32 @!p0 $0xB  }
0xa2: {  	_ =	swait.ge @!p0 [sflag:s0], s1  }
0xa3: {  	s1 =	ssub.s32 @!p0 $0x0, s1;
	[sflag:s0] =	ssyncset.done @!p0 $0x0  }
0xa4: {  	[sflag:s0] =	ssyncadd.s32 @!p0 s1  }
0xa5: {  	[bflag:$0x3] =	sbarrier.arrive $0xFFFF  }
0xa6: {  	_ =	shalt  }

</sc_bundles>
